<compile_context>
chip_gen: v7x
topology: tpu7x:2x2x1
jax: 0.10.2.dev20260603
libtpu: 0.0.44.dev20260713+nightly
codegen_flags: <defaults>
</compile_context>

<pallas_src>
import functools

import jax
import jax.numpy as jnp
from jax import lax
from jax.experimental import pallas as pl
from jax.experimental.pallas import tpu as pltpu
from jax.experimental.pallas import tpu_sc as plsc

N_NODES = 10000
N_EDGES = 320000
D = 128

NC = 2
NS = 16
C = 128
TCH = 160
K0 = 128
K1 = TCH - K0
P = 32
NB = 2
EPT = TCH * C
E_PAD = NS * EPT
ACC_ROWS = 10112
ZROWS = ACC_ROWS // NS


def _sc_aggregate(x, src3, dst3):
    mesh = plsc.VectorSubcoreMesh(
        core_axis_name="c", subcore_axis_name="s", num_cores=NC, num_subcores=NS
    )

    @functools.partial(
        pl.kernel,
        out_type=jax.ShapeDtypeStruct((NC, ACC_ROWS, D), jnp.float32),
        mesh=mesh,
        scratch_types=[
            pltpu.VMEM_SHARED((ACC_ROWS, D), jnp.float32),
            pltpu.VMEM((P, C), jnp.int32),
            pltpu.VMEM((P, C), jnp.int32),
        ]
        + [pltpu.VMEM((C, D), jnp.float32) for _ in range(NB)]
        + [pltpu.SemaphoreType.DMA for _ in range(NB)],
    )
    def agg_kernel(x_hbm, src_hbm, dst_hbm, out_hbm, acc, src_v, dst_v, *ring):
        rows = ring[:NB]
        gsem = ring[NB:]
        c = lax.axis_index("c")
        s = lax.axis_index("s")

        zvec = jnp.zeros((16,), jnp.float32)

        def zfill(i, carry):
            rows[0][i // 8, pl.ds((i % 8) * 16, 16)] = zvec
            return carry

        lax.fori_loop(0, C * D // 16, zfill, 0, unroll=False)
        for k in range(ZROWS // C):
            pltpu.sync_copy(rows[0], acc.at[pl.ds(s * ZROWS + k * C, C)])
        rem = ZROWS % C
        if rem:
            pltpu.sync_copy(
                rows[0].at[pl.ds(0, rem)],
                acc.at[pl.ds(s * ZROWS + (ZROWS // C) * C, rem)],
            )
        plsc.subcore_barrier()

        lo = jnp.where(c == 0, 0, K0)
        nph = jnp.where(c == 0, K0 // P, K1 // P)

        def phase_body(ph, carry):
            base = pl.multiple_of(lo + ph * P, P)
            pltpu.sync_copy(src_hbm.at[s, pl.ds(base, P)], src_v)
            pltpu.sync_copy(dst_hbm.at[s, pl.ds(base, P)], dst_v)

            for b in range(NB):
                pltpu.async_copy(x_hbm.at[src_v.at[b]], rows[b], gsem[b])

            def body(i, carry2):
                j0 = i * NB
                for b in range(NB):
                    j = j0 + b
                    pltpu.make_async_copy(x_hbm.at[src_v.at[j]], rows[b], gsem[b]).wait()
                    pltpu.sync_copy(rows[b], acc.at[dst_v.at[j]], add=True)
                    pltpu.async_copy(x_hbm.at[src_v.at[j + NB]], rows[b], gsem[b])
                return carry2

            lax.fori_loop(0, P // NB - 1, body, 0, unroll=False)

            for b in range(NB):
                j = P - NB + b
                pltpu.make_async_copy(x_hbm.at[src_v.at[j]], rows[b], gsem[b]).wait()
                pltpu.sync_copy(rows[b], acc.at[dst_v.at[j]], add=True)
            return carry

        lax.fori_loop(0, nph, phase_body, 0, unroll=False)

        plsc.subcore_barrier()
        pltpu.sync_copy(
            acc.at[pl.ds(s * ZROWS, ZROWS)],
            out_hbm.at[c, pl.ds(s * ZROWS, ZROWS)],
        )

    return agg_kernel(x, src3, dst3)


def _mlp_body(x_ref, p_ref, w1_ref, b1_ref, g_ref, bt_ref, w2_ref, b2_ref, out_ref):
    h = x_ref[...] + p_ref[0, :N_NODES] + p_ref[1, :N_NODES]
    h1 = jnp.dot(h, w1_ref[...].T, preferred_element_type=jnp.float32) + b1_ref[...]
    mean = jnp.mean(h1, axis=0, keepdims=True)
    var = jnp.mean((h1 - mean) ** 2, axis=0, keepdims=True)
    hn = (h1 - mean) * lax.rsqrt(var + 1e-5) * g_ref[...] + bt_ref[...]
    hr = jnp.maximum(hn, 0.0)
    h2 = jnp.dot(hr, w2_ref[...].T, preferred_element_type=jnp.float32) + b2_ref[...]
    out_ref[...] = jnp.maximum(h2, 0.0)


def kernel(x, edge_index, W1, b1, gamma, beta, W2, b2):
    src = edge_index[0].astype(jnp.int32)
    dst = edge_index[1].astype(jnp.int32)
    pad = E_PAD - N_EDGES
    src3 = jnp.concatenate([src, jnp.zeros((pad,), jnp.int32)]).reshape(NS, TCH, C)
    dst3 = jnp.concatenate([dst, jnp.full((pad,), N_NODES, jnp.int32)]).reshape(NS, TCH, C)

    partials = _sc_aggregate(x, src3, dst3)

    return pl.pallas_call(
        _mlp_body,
        out_shape=jax.ShapeDtypeStruct((N_NODES, D), jnp.float32),
    )(
        x,
        partials,
        W1,
        b1.reshape(1, D),
        gamma.reshape(1, D),
        beta.reshape(1, D),
        W2,
        b2.reshape(1, D),
    )

# --- scband reference (transcript-rebuilt; emitter-appended) ---
"""Pipeline reference for scband-ginlayer-50397146251358 (READ-ONLY COPY).

The authoritative reference and input builder live on the scoring server;
editing this copy changes nothing except your own understanding.
"""

import jax, jax.numpy as jnp
import numpy as np

N_NODES = 10000
N_EDGES = 320000
D_IN = 128
D_HID = 128
D_OUT = 128

def setup_inputs(seed: int = 0) -> dict:
    key = jax.random.key(seed)
    k1, k2, k3, k4, k5, k6 = jax.random.split(key, 6)
    x = jax.random.normal(k1, (N_NODES, D_IN), dtype=jnp.float32)
    edge_index = jax.random.randint(k2, (2, N_EDGES), 0, N_NODES, dtype=jnp.int64)
    s1 = 1.0 / np.sqrt(D_IN)
    W1 = jax.random.uniform(k3, (D_HID, D_IN), dtype=jnp.float32, minval=-s1, maxval=s1)
    b1 = jax.random.uniform(k4, (D_HID,), dtype=jnp.float32, minval=-s1, maxval=s1)
    gamma = jnp.ones((D_HID,), dtype=jnp.float32)
    beta = jnp.zeros((D_HID,), dtype=jnp.float32)
    s2 = 1.0 / np.sqrt(D_HID)
    W2 = jax.random.uniform(k5, (D_OUT, D_HID), dtype=jnp.float32, minval=-s2, maxval=s2)
    b2 = jax.random.uniform(k6, (D_OUT,), dtype=jnp.float32, minval=-s2, maxval=s2)
    return {"x": x, "edge_index": edge_index, "W1": W1, "b1": b1, "gamma": gamma, "beta": beta, "W2": W2, "b2": b2}

def reference(x, edge_index, W1, b1, gamma, beta, W2, b2):
    # GINConv: out = MLP((1 + eps) * x + sum_{j in N(i)} x_j), eps = 0 (default)
    src = edge_index[0]
    dst = edge_index[1]
    msgs = jnp.take(x, src, axis=0)                      # gather: [E, D]
    agg = jax.ops.segment_sum(msgs, dst, num_segments=x.shape[0])  # scatter-add
    h = x + agg                                          # (1+eps)*x + aggr, eps=0
    # MLP: Linear -> BatchNorm1d (training-mode batch stats) -> ReLU -> Linear -> ReLU
    h = h @ W1.T + b1
    mean = jnp.mean(h, axis=0)
    var = jnp.var(h, axis=0)  # biased variance, as torch BN uses for normalization
    h = (h - mean) / jnp.sqrt(var + 1e-5) * gamma + beta
    h = jax.nn.relu(h)
    h = h @ W2.T + b2
    h = jax.nn.relu(h)
    return h

if __name__ == "__main__":
    import jax
    _d = setup_inputs()
    print(jax.jit(kernel)(*tuple(_d.values())))

</pallas_src>

<mosaic_0001>
#map = affine_map<(d0, d1) -> (0, 0)>
#map1 = affine_map<(d0, d1) -> (0, 0, 0)>
module attributes {stable_mosaic.version = 14 : i64} {
  func.func @agg_kernel(%arg0: i32, %arg1: i32, %arg2: memref<10000x128xf32, #tpu.memory_space<hbm>>, %arg3: memref<16x160x128xi32, #tpu.memory_space<hbm>>, %arg4: memref<16x160x128xi32, #tpu.memory_space<hbm>>, %arg5: memref<2x10112x128xf32, #tpu.memory_space<hbm>>, %arg6: memref<10112x128xf32, #tpu.memory_space<vmem_shared>>, %arg7: memref<32x128xi32, #tpu.memory_space<vmem>>, %arg8: memref<32x128xi32, #tpu.memory_space<vmem>>, %arg9: memref<128x128xf32, #tpu.memory_space<vmem>>, %arg10: memref<128x128xf32, #tpu.memory_space<vmem>>, %arg11: memref<!tpu.dma_semaphore, #tpu.memory_space<semaphore_mem>>, %arg12: memref<!tpu.dma_semaphore, #tpu.memory_space<semaphore_mem>>) attributes {dimension_semantics = [#tpu.dimension_semantics<core_parallel>, #tpu.dimension_semantics<subcore_parallel>], iteration_bounds = array<i64: 2, 16>, scalar_prefetch = 0 : i64, scratch_operands = 7 : i64, tpu.core_type = #tpu.core_type<sc_vector_subcore>, window_params = [{transform_indices = #map}, {transform_indices = #map1}, {transform_indices = #map1}, {transform_indices = #map1}]} {
    %broadcast_in_dim3A = arith.constant 0.000000e+00 : f32
    %broadcast_in_dim3A_0 = vector.broadcast %broadcast_in_dim3A : f32 to vector<16xf32>
    %scan3A = arith.constant 0 : i32
    %scan3A_1 = arith.constant 0 : i32
    %scan3A_2 = arith.constant 1024 : i32
    %scan3A_3 = arith.addi %scan3A_1, %scan3A_2 : i32
    %scan3A_4 = arith.constant 1 : i32
    scf.for %scan3A_45 = %scan3A_1 to %scan3A_3 step %scan3A_4  : i32 {
      %jit3A_46 = arith.constant 8 : i32
      %div3A = arith.divsi %scan3A_45, %jit3A_46 : i32
      %sign3A = arith.constant 0 : i32
      %sign3A_47 = arith.cmpi sgt, %scan3A_45, %sign3A : i32
      %sign3A_48 = arith.extui %sign3A_47 : i1 to i32
      %sign3A_49 = arith.constant 0 : i32
      %sign3A_50 = arith.cmpi slt, %scan3A_45, %sign3A_49 : i32
      %sign3A_51 = arith.extui %sign3A_50 : i1 to i32
      %sign3A_52 = arith.subi %sign3A_48, %sign3A_51 : i32
      %sign3A_53 = arith.constant 0 : i32
      %sign3A_54 = arith.cmpi sgt, %jit3A_46, %sign3A_53 : i32
      %sign3A_55 = arith.extui %sign3A_54 : i1 to i32
      %sign3A_56 = arith.constant 0 : i32
      %sign3A_57 = arith.cmpi slt, %jit3A_46, %sign3A_56 : i32
      %sign3A_58 = arith.extui %sign3A_57 : i1 to i32
      %sign3A_59 = arith.subi %sign3A_55, %sign3A_58 : i32
      %ne3A = arith.cmpi ne, %sign3A_52, %sign3A_59 : i32
      %rem3A = arith.remsi %scan3A_45, %jit3A_46 : i32
      %ne3A_60 = arith.constant 0 : i32
      %ne3A_61 = arith.cmpi ne, %rem3A, %ne3A_60 : i32
      %and3A = arith.andi %ne3A, %ne3A_61 : i1
      %sub3A = arith.constant 1 : i32
      %sub3A_62 = arith.subi %div3A, %sub3A : i32
      %select_n3A_63 = arith.select %and3A, %sub3A_62, %div3A : i32
      %jit3A_64 = arith.constant 8 : i32
      %eq3A_65 = arith.constant 0 : i32
      %eq3A_66 = arith.cmpi eq, %jit3A_64, %eq3A_65 : i32
      %jit3A_67 = arith.constant 1 : i32
      %select_n3A_68 = arith.select %eq3A_66, %jit3A_67, %jit3A_64 : i32
      %rem3A_69 = arith.remsi %scan3A_45, %select_n3A_68 : i32
      %ne3A_70 = arith.constant 0 : i32
      %ne3A_71 = arith.cmpi ne, %rem3A_69, %ne3A_70 : i32
      %lt3A = arith.constant 0 : i32
      %lt3A_72 = arith.cmpi slt, %rem3A_69, %lt3A : i32
      %lt3A_73 = arith.constant 0 : i32
      %lt3A_74 = arith.cmpi slt, %select_n3A_68, %lt3A_73 : i32
      %ne3A_75 = arith.xori %lt3A_72, %lt3A_74 : i1
      %and3A_76 = arith.andi %ne3A_75, %ne3A_71 : i1
      %add3A_77 = arith.addi %rem3A_69, %select_n3A_68 : i32
      %select_n3A_78 = arith.select %and3A_76, %add3A_77, %rem3A_69 : i32
      %mul3A_79 = arith.constant 16 : i32
      %mul3A_80 = arith.muli %select_n3A_78, %mul3A_79 : i32
      %swap3A = arith.index_cast %select_n3A_63 : i32 to index
      %swap3A_81 = arith.index_cast %mul3A_80 : i32 to index
      %swap3A_82 = tpu.vector_load %arg9[%swap3A, %swap3A_81] {strides = array<i32>} : memref<128x128xf32, #tpu.memory_space<vmem>>, vector<1x16xf32>,
      %swap3A_83 = vector.shape_cast %swap3A_82 : vector<1x16xf32> to vector<16xf32>
      %swap3A_84 = vector.shape_cast %broadcast_in_dim3A_0 : vector<16xf32> to vector<1x16xf32>
      tpu.vector_store %arg9[%swap3A, %swap3A_81], %swap3A_84 {strides = array<i32>} : memref<128x128xf32, #tpu.memory_space<vmem>>, vector<1x16xf32>,
    }
    %scan3A_5 = arith.constant 1024 : i32
    %mul3A = arith.constant 632 : i32
    %mul3A_6 = arith.muli %arg1, %mul3A : i32
    %add3A = arith.constant 0 : i32
    %add3A_7 = arith.addi %mul3A_6, %add3A : i32
    "tpu.region"() ({
      %run_scoped3A = tpu.sem_alloc : memref<!tpu.dma_semaphore, #tpu.memory_space<semaphore_mem>>
      %dma_start3A = arith.constant 0 : i32
      %dma_start3A_45 = tpu.memref_slice %arg6[%add3A_7, %dma_start3A] : memref<10112x128xf32, #tpu.memory_space<vmem_shared>> -> memref<128x128xf32, #tpu.memory_space<vmem_shared>>
      %dma_start3A_46 = arith.constant 0 : i32
      %dma_start3A_47 = tpu.memref_slice %arg6[%add3A_7, %dma_start3A_46] : memref<10112x128xf32, #tpu.memory_space<vmem_shared>> -> memref<128x128xf32, #tpu.memory_space<vmem_shared>>
      tpu.enqueue_dma source(%arg9 : memref<128x128xf32, #tpu.memory_space<vmem>>) target(%dma_start3A_47 : memref<128x128xf32, #tpu.memory_space<vmem_shared>>) target_semaphore(%run_scoped3A : memref<!tpu.dma_semaphore, #tpu.memory_space<semaphore_mem>>)
      %dma_wait3A = arith.constant 0 : i32
      %dma_wait3A_48 = tpu.memref_slice %arg6[%add3A_7, %dma_wait3A] : memref<10112x128xf32, #tpu.memory_space<vmem_shared>> -> memref<128x128xf32, #tpu.memory_space<vmem_shared>>
      %dma_wait3A_49 = arith.constant 0 : i32
      %dma_wait3A_50 = tpu.memref_slice %arg6[%add3A_7, %dma_wait3A_49] : memref<10112x128xf32, #tpu.memory_space<vmem_shared>> -> memref<128x128xf32, #tpu.memory_space<vmem_shared>>
      tpu.wait_dma2 semaphore(%run_scoped3A : memref<!tpu.dma_semaphore, #tpu.memory_space<semaphore_mem>>) src(%arg9 : memref<128x128xf32, #tpu.memory_space<vmem>>) dst(%dma_wait3A_50 : memref<128x128xf32, #tpu.memory_space<vmem_shared>>)
      tpu.yield
    }) : () -> ()
    %mul3A_8 = arith.constant 632 : i32
    %mul3A_9 = arith.muli %arg1, %mul3A_8 : i32
    %add3A_10 = arith.constant 128 : i32
    %add3A_11 = arith.addi %mul3A_9, %add3A_10 : i32
    "tpu.region"() ({
      %run_scoped3A = tpu.sem_alloc : memref<!tpu.dma_semaphore, #tpu.memory_space<semaphore_mem>>
      %dma_start3A = arith.constant 0 : i32
      %dma_start3A_45 = tpu.memref_slice %arg6[%add3A_11, %dma_start3A] : memref<10112x128xf32, #tpu.memory_space<vmem_shared>> -> memref<128x128xf32, #tpu.memory_space<vmem_shared>>
      %dma_start3A_46 = arith.constant 0 : i32
      %dma_start3A_47 = tpu.memref_slice %arg6[%add3A_11, %dma_start3A_46] : memref<10112x128xf32, #tpu.memory_space<vmem_shared>> -> memref<128x128xf32, #tpu.memory_space<vmem_shared>>
      tpu.enqueue_dma source(%arg9 : memref<128x128xf32, #tpu.memory_space<vmem>>) target(%dma_start3A_47 : memref<128x128xf32, #tpu.memory_space<vmem_shared>>) target_semaphore(%run_scoped3A : memref<!tpu.dma_semaphore, #tpu.memory_space<semaphore_mem>>)
      %dma_wait3A = arith.constant 0 : i32
      %dma_wait3A_48 = tpu.memref_slice %arg6[%add3A_11, %dma_wait3A] : memref<10112x128xf32, #tpu.memory_space<vmem_shared>> -> memref<128x128xf32, #tpu.memory_space<vmem_shared>>
      %dma_wait3A_49 = arith.constant 0 : i32
      %dma_wait3A_50 = tpu.memref_slice %arg6[%add3A_11, %dma_wait3A_49] : memref<10112x128xf32, #tpu.memory_space<vmem_shared>> -> memref<128x128xf32, #tpu.memory_space<vmem_shared>>
      tpu.wait_dma2 semaphore(%run_scoped3A : memref<!tpu.dma_semaphore, #tpu.memory_space<semaphore_mem>>) src(%arg9 : memref<128x128xf32, #tpu.memory_space<vmem>>) dst(%dma_wait3A_50 : memref<128x128xf32, #tpu.memory_space<vmem_shared>>)
      tpu.yield
    }) : () -> ()
    %mul3A_12 = arith.constant 632 : i32
    %mul3A_13 = arith.muli %arg1, %mul3A_12 : i32
    %add3A_14 = arith.constant 256 : i32
    %add3A_15 = arith.addi %mul3A_13, %add3A_14 : i32
    "tpu.region"() ({
      %run_scoped3A = tpu.sem_alloc : memref<!tpu.dma_semaphore, #tpu.memory_space<semaphore_mem>>
      %dma_start3A = arith.constant 0 : i32
      %dma_start3A_45 = tpu.memref_slice %arg6[%add3A_15, %dma_start3A] : memref<10112x128xf32, #tpu.memory_space<vmem_shared>> -> memref<128x128xf32, #tpu.memory_space<vmem_shared>>
      %dma_start3A_46 = arith.constant 0 : i32
      %dma_start3A_47 = tpu.memref_slice %arg6[%add3A_15, %dma_start3A_46] : memref<10112x128xf32, #tpu.memory_space<vmem_shared>> -> memref<128x128xf32, #tpu.memory_space<vmem_shared>>
      tpu.enqueue_dma source(%arg9 : memref<128x128xf32, #tpu.memory_space<vmem>>) target(%dma_start3A_47 : memref<128x128xf32, #tpu.memory_space<vmem_shared>>) target_semaphore(%run_scoped3A : memref<!tpu.dma_semaphore, #tpu.memory_space<semaphore_mem>>)
      %dma_wait3A = arith.constant 0 : i32
      %dma_wait3A_48 = tpu.memref_slice %arg6[%add3A_15, %dma_wait3A] : memref<10112x128xf32, #tpu.memory_space<vmem_shared>> -> memref<128x128xf32, #tpu.memory_space<vmem_shared>>
      %dma_wait3A_49 = arith.constant 0 : i32
      %dma_wait3A_50 = tpu.memref_slice %arg6[%add3A_15, %dma_wait3A_49] : memref<10112x128xf32, #tpu.memory_space<vmem_shared>> -> memref<128x128xf32, #tpu.memory_space<vmem_shared>>
      tpu.wait_dma2 semaphore(%run_scoped3A : memref<!tpu.dma_semaphore, #tpu.memory_space<semaphore_mem>>) src(%arg9 : memref<128x128xf32, #tpu.memory_space<vmem>>) dst(%dma_wait3A_50 : memref<128x128xf32, #tpu.memory_space<vmem_shared>>)
      tpu.yield
    }) : () -> ()
    %mul3A_16 = arith.constant 632 : i32
    %mul3A_17 = arith.muli %arg1, %mul3A_16 : i32
    %add3A_18 = arith.constant 384 : i32
    %add3A_19 = arith.addi %mul3A_17, %add3A_18 : i32
    "tpu.region"() ({
      %run_scoped3A = tpu.sem_alloc : memref<!tpu.dma_semaphore, #tpu.memory_space<semaphore_mem>>
      %dma_start3A = arith.constant 0 : i32
      %dma_start3A_45 = tpu.memref_slice %arg6[%add3A_19, %dma_start3A] : memref<10112x128xf32, #tpu.memory_space<vmem_shared>> -> memref<128x128xf32, #tpu.memory_space<vmem_shared>>
      %dma_start3A_46 = arith.constant 0 : i32
      %dma_start3A_47 = tpu.memref_slice %arg6[%add3A_19, %dma_start3A_46] : memref<10112x128xf32, #tpu.memory_space<vmem_shared>> -> memref<128x128xf32, #tpu.memory_space<vmem_shared>>
      tpu.enqueue_dma source(%arg9 : memref<128x128xf32, #tpu.memory_space<vmem>>) target(%dma_start3A_47 : memref<128x128xf32, #tpu.memory_space<vmem_shared>>) target_semaphore(%run_scoped3A : memref<!tpu.dma_semaphore, #tpu.memory_space<semaphore_mem>>)
      %dma_wait3A = arith.constant 0 : i32
      %dma_wait3A_48 = tpu.memref_slice %arg6[%add3A_19, %dma_wait3A] : memref<10112x128xf32, #tpu.memory_space<vmem_shared>> -> memref<128x128xf32, #tpu.memory_space<vmem_shared>>
      %dma_wait3A_49 = arith.constant 0 : i32
      %dma_wait3A_50 = tpu.memref_slice %arg6[%add3A_19, %dma_wait3A_49] : memref<10112x128xf32, #tpu.memory_space<vmem_shared>> -> memref<128x128xf32, #tpu.memory_space<vmem_shared>>
      tpu.wait_dma2 semaphore(%run_scoped3A : memref<!tpu.dma_semaphore, #tpu.memory_space<semaphore_mem>>) src(%arg9 : memref<128x128xf32, #tpu.memory_space<vmem>>) dst(%dma_wait3A_50 : memref<128x128xf32, #tpu.memory_space<vmem_shared>>)
      tpu.yield
    }) : () -> ()
    %mul3A_20 = arith.constant 632 : i32
    %mul3A_21 = arith.muli %arg1, %mul3A_20 : i32
    %add3A_22 = arith.constant 512 : i32
    %add3A_23 = arith.addi %mul3A_21, %add3A_22 : i32
    "tpu.region"() ({
      %run_scoped3A = tpu.sem_alloc : memref<!tpu.dma_semaphore, #tpu.memory_space<semaphore_mem>>
      %dma_start3A = arith.constant 0 : i32
      %dma_start3A_45 = arith.constant 0 : i32
      %dma_start3A_46 = tpu.memref_slice %arg9[%dma_start3A, %dma_start3A_45] : memref<128x128xf32, #tpu.memory_space<vmem>> -> memref<120x128xf32, #tpu.memory_space<vmem>>
      %dma_start3A_47 = arith.constant 0 : i32
      %dma_start3A_48 = tpu.memref_slice %arg6[%add3A_23, %dma_start3A_47] : memref<10112x128xf32, #tpu.memory_space<vmem_shared>> -> memref<120x128xf32, #tpu.memory_space<vmem_shared>>
      %dma_start3A_49 = arith.constant 0 : i32
      %dma_start3A_50 = tpu.memref_slice %arg6[%add3A_23, %dma_start3A_49] : memref<10112x128xf32, #tpu.memory_space<vmem_shared>> -> memref<120x128xf32, #tpu.memory_space<vmem_shared>>
      %dma_start3A_51 = arith.constant 0 : i32
      %dma_start3A_52 = arith.constant 0 : i32
      %dma_start3A_53 = tpu.memref_slice %arg9[%dma_start3A_51, %dma_start3A_52] : memref<128x128xf32, #tpu.memory_space<vmem>> -> memref<120x128xf32, #tpu.memory_space<vmem>>
      tpu.enqueue_dma source(%dma_start3A_53 : memref<120x128xf32, #tpu.memory_space<vmem>>) target(%dma_start3A_50 : memref<120x128xf32, #tpu.memory_space<vmem_shared>>) target_semaphore(%run_scoped3A : memref<!tpu.dma_semaphore, #tpu.memory_space<semaphore_mem>>)
      %dma_wait3A = arith.constant 0 : i32
      %dma_wait3A_54 = arith.constant 0 : i32
      %dma_wait3A_55 = tpu.memref_slice %arg9[%dma_wait3A, %dma_wait3A_54] : memref<128x128xf32, #tpu.memory_space<vmem>> -> memref<120x128xf32, #tpu.memory_space<vmem>>
      %dma_wait3A_56 = arith.constant 0 : i32
      %dma_wait3A_57 = tpu.memref_slice %arg6[%add3A_23, %dma_wait3A_56] : memref<10112x128xf32, #tpu.memory_space<vmem_shared>> -> memref<120x128xf32, #tpu.memory_space<vmem_shared>>
      %dma_wait3A_58 = arith.constant 0 : i32
      %dma_wait3A_59 = tpu.memref_slice %arg6[%add3A_23, %dma_wait3A_58] : memref<10112x128xf32, #tpu.memory_space<vmem_shared>> -> memref<120x128xf32, #tpu.memory_space<vmem_shared>>
      %dma_wait3A_60 = arith.constant 0 : i32
      %dma_wait3A_61 = arith.constant 0 : i32
      %dma_wait3A_62 = tpu.memref_slice %arg9[%dma_wait3A_60, %dma_wait3A_61] : memref<128x128xf32, #tpu.memory_space<vmem>> -> memref<120x128xf32, #tpu.memory_space<vmem>>
      tpu.wait_dma2 semaphore(%run_scoped3A : memref<!tpu.dma_semaphore, #tpu.memory_space<semaphore_mem>>) src(%dma_wait3A_62 : memref<120x128xf32, #tpu.memory_space<vmem>>) dst(%dma_wait3A_59 : memref<120x128xf32, #tpu.memory_space<vmem_shared>>)
      tpu.yield
    }) : () -> ()
    %barrier3A = arith.constant 0 : index
    tpu.barrier barrier_id(%barrier3A)
    %eq3A = arith.constant 0 : i32
    %eq3A_24 = arith.cmpi eq, %arg0, %eq3A : i32
    %jit3A = arith.constant 0 : i32
    %jit3A_25 = arith.constant 128 : i32
    %select_n3A = arith.select %eq3A_24, %jit3A, %jit3A_25 : i32
    %eq3A_26 = arith.constant 0 : i32
    %eq3A_27 = arith.cmpi eq, %arg0, %eq3A_26 : i32
    %jit3A_28 = arith.constant 4 : i32
    %jit3A_29 = arith.constant 1 : i32
    %select_n3A_30 = arith.select %eq3A_27, %jit3A_28, %jit3A_29 : i32
    %while3A = arith.constant 0 : i32
    %while3A_31 = arith.constant 0 : i32
    %while3A_32 = arith.subi %select_n3A_30, %while3A_31 : i32
    %while3A_33 = arith.addi %while3A_31, %while3A_32 : i32
    %while3A_34 = arith.constant 1 : i32
    %while3A_35 = arith.divsi %while3A_32, %while3A_34 : i32
    %while3A_36 = arith.muli %while3A_35, %while3A_34 : i32
    %while3A_37 = arith.addi %while3A_31, %while3A_36 : i32
    %while3A_38 = arith.constant 1 : i32
    scf.for %while3A_45 = %while3A_31 to %while3A_37 step %while3A_38  : i32 {
      %mul3A_46 = arith.constant 32 : i32
      %mul3A_47 = arith.muli %while3A_45, %mul3A_46 : i32
      %add3A_48 = arith.addi %select_n3A, %mul3A_47 : i32
      %multiple_of3A = tpu.assume_multiple %add3A_48, 32 : i32
      "tpu.region"() ({
        %run_scoped3A_82 = tpu.sem_alloc : memref<!tpu.dma_semaphore, #tpu.memory_space<semaphore_mem>>
        %dma_start3A_83 = arith.constant 0 : i32
        %dma_start3A_84 = tpu.memref_slice %arg3[%arg1, %multiple_of3A, %dma_start3A_83] : memref<16x160x128xi32, #tpu.memory_space<hbm>> -> memref<1x32x128xi32, #tpu.memory_space<hbm>>
        %dma_start3A_85 = tpu.memref_squeeze %dma_start3A_84 : memref<1x32x128xi32, #tpu.memory_space<hbm>> -> memref<32x128xi32, #tpu.memory_space<hbm>>
        %dma_start3A_86 = arith.constant 0 : i32
        %dma_start3A_87 = tpu.memref_slice %arg3[%arg1, %multiple_of3A, %dma_start3A_86] : memref<16x160x128xi32, #tpu.memory_space<hbm>> -> memref<1x32x128xi32, #tpu.memory_space<hbm>>
        %dma_start3A_88 = tpu.memref_squeeze %dma_start3A_87 : memref<1x32x128xi32, #tpu.memory_space<hbm>> -> memref<32x128xi32, #tpu.memory_space<hbm>>
        tpu.enqueue_dma source(%dma_start3A_88 : memref<32x128xi32, #tpu.memory_space<hbm>>) target(%arg7 : memref<32x128xi32, #tpu.memory_space<vmem>>) target_semaphore(%run_scoped3A_82 : memref<!tpu.dma_semaphore, #tpu.memory_space<semaphore_mem>>)
        %dma_wait3A_89 = arith.constant 0 : i32
        %dma_wait3A_90 = tpu.memref_slice %arg3[%arg1, %multiple_of3A, %dma_wait3A_89] : memref<16x160x128xi32, #tpu.memory_space<hbm>> -> memref<1x32x128xi32, #tpu.memory_space<hbm>>
        %dma_wait3A_91 = tpu.memref_squeeze %dma_wait3A_90 : memref<1x32x128xi32, #tpu.memory_space<hbm>> -> memref<32x128xi32, #tpu.memory_space<hbm>>
        %dma_wait3A_92 = arith.constant 0 : i32
        %dma_wait3A_93 = tpu.memref_slice %arg3[%arg1, %multiple_of3A, %dma_wait3A_92] : memref<16x160x128xi32, #tpu.memory_space<hbm>> -> memref<1x32x128xi32, #tpu.memory_space<hbm>>
        %dma_wait3A_94 = tpu.memref_squeeze %dma_wait3A_93 : memref<1x32x128xi32, #tpu.memory_space<hbm>> -> memref<32x128xi32, #tpu.memory_space<hbm>>
        tpu.wait_dma2 semaphore(%run_scoped3A_82 : memref<!tpu.dma_semaphore, #tpu.memory_space<semaphore_mem>>) src(%dma_wait3A_94 : memref<32x128xi32, #tpu.memory_space<hbm>>) dst(%arg7 : memref<32x128xi32, #tpu.memory_space<vmem>>)
        tpu.yield
      }) : () -> ()
      "tpu.region"() ({
        %run_scoped3A_82 = tpu.sem_alloc : memref<!tpu.dma_semaphore, #tpu.memory_space<semaphore_mem>>
        %dma_start3A_83 = arith.constant 0 : i32
        %dma_start3A_84 = tpu.memref_slice %arg4[%arg1, %multiple_of3A, %dma_start3A_83] : memref<16x160x128xi32, #tpu.memory_space<hbm>> -> memref<1x32x128xi32, #tpu.memory_space<hbm>>
        %dma_start3A_85 = tpu.memref_squeeze %dma_start3A_84 : memref<1x32x128xi32, #tpu.memory_space<hbm>> -> memref<32x128xi32, #tpu.memory_space<hbm>>
        %dma_start3A_86 = arith.constant 0 : i32
        %dma_start3A_87 = tpu.memref_slice %arg4[%arg1, %multiple_of3A, %dma_start3A_86] : memref<16x160x128xi32, #tpu.memory_space<hbm>> -> memref<1x32x128xi32, #tpu.memory_space<hbm>>
        %dma_start3A_88 = tpu.memref_squeeze %dma_start3A_87 : memref<1x32x128xi32, #tpu.memory_space<hbm>> -> memref<32x128xi32, #tpu.memory_space<hbm>>
        tpu.enqueue_dma source(%dma_start3A_88 : memref<32x128xi32, #tpu.memory_space<hbm>>) target(%arg8 : memref<32x128xi32, #tpu.memory_space<vmem>>) target_semaphore(%run_scoped3A_82 : memref<!tpu.dma_semaphore, #tpu.memory_space<semaphore_mem>>)
        %dma_wait3A_89 = arith.constant 0 : i32
        %dma_wait3A_90 = tpu.memref_slice %arg4[%arg1, %multiple_of3A, %dma_wait3A_89] : memref<16x160x128xi32, #tpu.memory_space<hbm>> -> memref<1x32x128xi32, #tpu.memory_space<hbm>>
        %dma_wait3A_91 = tpu.memref_squeeze %dma_wait3A_90 : memref<1x32x128xi32, #tpu.memory_space<hbm>> -> memref<32x128xi32, #tpu.memory_space<hbm>>
        %dma_wait3A_92 = arith.constant 0 : i32
        %dma_wait3A_93 = tpu.memref_slice %arg4[%arg1, %multiple_of3A, %dma_wait3A_92] : memref<16x160x128xi32, #tpu.memory_space<hbm>> -> memref<1x32x128xi32, #tpu.memory_space<hbm>>
        %dma_wait3A_94 = tpu.memref_squeeze %dma_wait3A_93 : memref<1x32x128xi32, #tpu.memory_space<hbm>> -> memref<32x128xi32, #tpu.memory_space<hbm>>
        tpu.wait_dma2 semaphore(%run_scoped3A_82 : memref<!tpu.dma_semaphore, #tpu.memory_space<semaphore_mem>>) src(%dma_wait3A_94 : memref<32x128xi32, #tpu.memory_space<hbm>>) dst(%arg8 : memref<32x128xi32, #tpu.memory_space<vmem>>)
        tpu.yield
      }) : () -> ()
      %dma_start3A = arith.constant 0 : i32
      %dma_start3A_49 = arith.constant 0 : i32
      %dma_start3A_50 = tpu.memref_slice %arg7[%dma_start3A, %dma_start3A_49] : memref<32x128xi32, #tpu.memory_space<vmem>> -> memref<1x128xi32, #tpu.memory_space<vmem>>
      %dma_start3A_51 = tpu.memref_squeeze %dma_start3A_50 : memref<1x128xi32, #tpu.memory_space<vmem>> -> memref<128xi32, #tpu.memory_space<vmem>>
      %dma_start3A_52 = arith.constant 0 : i32
      %dma_start3A_53 = arith.constant 0 : i32
      %dma_start3A_54 = tpu.memref_slice %arg2[%dma_start3A_52, %dma_start3A_53] : memref<10000x128xf32, #tpu.memory_space<hbm>> -> memref<10000x128xf32, #tpu.memory_space<hbm>>
      tpu.enqueue_indirect_dma source(%dma_start3A_54 : memref<10000x128xf32, #tpu.memory_space<hbm>>) target(%arg9 : memref<128x128xf32, #tpu.memory_space<vmem>>) offsets(%dma_start3A_51 : memref<128xi32, #tpu.memory_space<vmem>>) semaphore(%arg11 : memref<!tpu.dma_semaphore, #tpu.memory_space<semaphore_mem>>)
      %dma_start3A_55 = arith.constant 1 : i32
      %dma_start3A_56 = arith.constant 0 : i32
      %dma_start3A_57 = tpu.memref_slice %arg7[%dma_start3A_55, %dma_start3A_56] : memref<32x128xi32, #tpu.memory_space<vmem>> -> memref<1x128xi32, #tpu.memory_space<vmem>>
      %dma_start3A_58 = tpu.memref_squeeze %dma_start3A_57 : memref<1x128xi32, #tpu.memory_space<vmem>> -> memref<128xi32, #tpu.memory_space<vmem>>
      %dma_start3A_59 = arith.constant 0 : i32
      %dma_start3A_60 = arith.constant 0 : i32
      %dma_start3A_61 = tpu.memref_slice %arg2[%dma_start3A_59, %dma_start3A_60] : memref<10000x128xf32, #tpu.memory_space<hbm>> -> memref<10000x128xf32, #tpu.memory_space<hbm>>
      tpu.enqueue_indirect_dma source(%dma_start3A_61 : memref<10000x128xf32, #tpu.memory_space<hbm>>) target(%arg10 : memref<128x128xf32, #tpu.memory_space<vmem>>) offsets(%dma_start3A_58 : memref<128xi32, #tpu.memory_space<vmem>>) semaphore(%arg12 : memref<!tpu.dma_semaphore, #tpu.memory_space<semaphore_mem>>)
      %scan3A_62 = arith.constant 0 : i32
      %scan3A_63 = arith.constant 0 : i32
      %scan3A_64 = arith.constant 15 : i32
      %scan3A_65 = arith.addi %scan3A_63, %scan3A_64 : i32
      %scan3A_66 = arith.constant 1 : i32
      scf.for %scan3A_82 = %scan3A_63 to %scan3A_65 step %scan3A_66  : i32 {
        %mul3A_83 = arith.constant 2 : i32
        %mul3A_84 = arith.muli %scan3A_82, %mul3A_83 : i32
        %add3A_85 = arith.constant 0 : i32
        %add3A_86 = arith.addi %mul3A_84, %add3A_85 : i32
        %dma_wait3A_87 = arith.constant 0 : i32
        %dma_wait3A_88 = tpu.memref_slice %arg7[%add3A_86, %dma_wait3A_87] : memref<32x128xi32, #tpu.memory_space<vmem>> -> memref<1x128xi32, #tpu.memory_space<vmem>>
        %dma_wait3A_89 = tpu.memref_squeeze %dma_wait3A_88 : memref<1x128xi32, #tpu.memory_space<vmem>> -> memref<128xi32, #tpu.memory_space<vmem>>
        %dma_wait3A_90 = arith.constant 0 : i32
        %dma_wait3A_91 = arith.constant 0 : i32
        %dma_wait3A_92 = tpu.memref_slice %arg2[%dma_wait3A_90, %dma_wait3A_91] : memref<10000x128xf32, #tpu.memory_space<hbm>> -> memref<10000x128xf32, #tpu.memory_space<hbm>>
        tpu.wait_indirect_dma semaphore(%arg11 : memref<!tpu.dma_semaphore, #tpu.memory_space<semaphore_mem>>) src(%dma_wait3A_92 : memref<10000x128xf32, #tpu.memory_space<hbm>>) dst(%arg9 : memref<128x128xf32, #tpu.memory_space<vmem>>)
        "tpu.region"() ({
          %run_scoped3A_117 = tpu.sem_alloc : memref<!tpu.dma_semaphore, #tpu.memory_space<semaphore_mem>>
          %dma_start3A_118 = arith.constant 0 : i32
          %dma_start3A_119 = tpu.memref_slice %arg8[%add3A_86, %dma_start3A_118] : memref<32x128xi32, #tpu.memory_space<vmem>> -> memref<1x128xi32, #tpu.memory_space<vmem>>
          %dma_start3A_120 = tpu.memref_squeeze %dma_start3A_119 : memref<1x128xi32, #tpu.memory_space<vmem>> -> memref<128xi32, #tpu.memory_space<vmem>>
          %dma_start3A_121 = arith.constant 0 : i32
          %dma_start3A_122 = arith.constant 0 : i32
          %dma_start3A_123 = tpu.memref_slice %arg6[%dma_start3A_121, %dma_start3A_122] : memref<10112x128xf32, #tpu.memory_space<vmem_shared>> -> memref<10112x128xf32, #tpu.memory_space<vmem_shared>>
          tpu.enqueue_indirect_dma source(%arg9 : memref<128x128xf32, #tpu.memory_space<vmem>>) target(%dma_start3A_123 : memref<10112x128xf32, #tpu.memory_space<vmem_shared>>) offsets(%dma_start3A_120 : memref<128xi32, #tpu.memory_space<vmem>>) semaphore(%run_scoped3A_117 : memref<!tpu.dma_semaphore, #tpu.memory_space<semaphore_mem>>) {add = true}
          %dma_wait3A_124 = arith.constant 0 : i32
          %dma_wait3A_125 = tpu.memref_slice %arg8[%add3A_86, %dma_wait3A_124] : memref<32x128xi32, #tpu.memory_space<vmem>> -> memref<1x128xi32, #tpu.memory_space<vmem>>
          %dma_wait3A_126 = tpu.memref_squeeze %dma_wait3A_125 : memref<1x128xi32, #tpu.memory_space<vmem>> -> memref<128xi32, #tpu.memory_space<vmem>>
          %dma_wait3A_127 = arith.constant 0 : i32
          %dma_wait3A_128 = arith.constant 0 : i32
          %dma_wait3A_129 = tpu.memref_slice %arg6[%dma_wait3A_127, %dma_wait3A_128] : memref<10112x128xf32, #tpu.memory_space<vmem_shared>> -> memref<10112x128xf32, #tpu.memory_space<vmem_shared>>
          tpu.wait_indirect_dma semaphore(%run_scoped3A_117 : memref<!tpu.dma_semaphore, #tpu.memory_space<semaphore_mem>>) src(%arg9 : memref<128x128xf32, #tpu.memory_space<vmem>>) dst(%dma_wait3A_129 : memref<10112x128xf32, #tpu.memory_space<vmem_shared>>)
          tpu.yield
        }) : () -> ()
        %add3A_93 = arith.constant 2 : i32
        %add3A_94 = arith.addi %add3A_86, %add3A_93 : i32
        %dma_start3A_95 = arith.constant 0 : i32
        %dma_start3A_96 = tpu.memref_slice %arg7[%add3A_94, %dma_start3A_95] : memref<32x128xi32, #tpu.memory_space<vmem>> -> memref<1x128xi32, #tpu.memory_space<vmem>>
        %dma_start3A_97 = tpu.memref_squeeze %dma_start3A_96 : memref<1x128xi32, #tpu.memory_space<vmem>> -> memref<128xi32, #tpu.memory_space<vmem>>
        %dma_start3A_98 = arith.constant 0 : i32
        %dma_start3A_99 = arith.constant 0 : i32
        %dma_start3A_100 = tpu.memref_slice %arg2[%dma_start3A_98, %dma_start3A_99] : memref<10000x128xf32, #tpu.memory_space<hbm>> -> memref<10000x128xf32, #tpu.memory_space<hbm>>
        tpu.enqueue_indirect_dma source(%dma_start3A_100 : memref<10000x128xf32, #tpu.memory_space<hbm>>) target(%arg9 : memref<128x128xf32, #tpu.memory_space<vmem>>) offsets(%dma_start3A_97 : memref<128xi32, #tpu.memory_space<vmem>>) semaphore(%arg11 : memref<!tpu.dma_semaphore, #tpu.memory_space<semaphore_mem>>)
        %add3A_101 = arith.constant 1 : i32
        %add3A_102 = arith.addi %mul3A_84, %add3A_101 : i32
        %dma_wait3A_103 = arith.constant 0 : i32
        %dma_wait3A_104 = tpu.memref_slice %arg7[%add3A_102, %dma_wait3A_103] : memref<32x128xi32, #tpu.memory_space<vmem>> -> memref<1x128xi32, #tpu.memory_space<vmem>>
        %dma_wait3A_105 = tpu.memref_squeeze %dma_wait3A_104 : memref<1x128xi32, #tpu.memory_space<vmem>> -> memref<128xi32, #tpu.memory_space<vmem>>
        %dma_wait3A_106 = arith.constant 0 : i32
        %dma_wait3A_107 = arith.constant 0 : i32
        %dma_wait3A_108 = tpu.memref_slice %arg2[%dma_wait3A_106, %dma_wait3A_107] : memref<10000x128xf32, #tpu.memory_space<hbm>> -> memref<10000x128xf32, #tpu.memory_space<hbm>>
        tpu.wait_indirect_dma semaphore(%arg12 : memref<!tpu.dma_semaphore, #tpu.memory_space<semaphore_mem>>) src(%dma_wait3A_108 : memref<10000x128xf32, #tpu.memory_space<hbm>>) dst(%arg10 : memref<128x128xf32, #tpu.memory_space<vmem>>)
        "tpu.region"() ({
          %run_scoped3A_117 = tpu.sem_alloc : memref<!tpu.dma_semaphore, #tpu.memory_space<semaphore_mem>>
          %dma_start3A_118 = arith.constant 0 : i32
          %dma_start3A_119 = tpu.memref_slice %arg8[%add3A_102, %dma_start3A_118] : memref<32x128xi32, #tpu.memory_space<vmem>> -> memref<1x128xi32, #tpu.memory_space<vmem>>
          %dma_start3A_120 = tpu.memref_squeeze %dma_start3A_119 : memref<1x128xi32, #tpu.memory_space<vmem>> -> memref<128xi32, #tpu.memory_space<vmem>>
          %dma_start3A_121 = arith.constant 0 : i32
          %dma_start3A_122 = arith.constant 0 : i32
          %dma_start3A_123 = tpu.memref_slice %arg6[%dma_start3A_121, %dma_start3A_122] : memref<10112x128xf32, #tpu.memory_space<vmem_shared>> -> memref<10112x128xf32, #tpu.memory_space<vmem_shared>>
          tpu.enqueue_indirect_dma source(%arg10 : memref<128x128xf32, #tpu.memory_space<vmem>>) target(%dma_start3A_123 : memref<10112x128xf32, #tpu.memory_space<vmem_shared>>) offsets(%dma_start3A_120 : memref<128xi32, #tpu.memory_space<vmem>>) semaphore(%run_scoped3A_117 : memref<!tpu.dma_semaphore, #tpu.memory_space<semaphore_mem>>) {add = true}
          %dma_wait3A_124 = arith.constant 0 : i32
          %dma_wait3A_125 = tpu.memref_slice %arg8[%add3A_102, %dma_wait3A_124] : memref<32x128xi32, #tpu.memory_space<vmem>> -> memref<1x128xi32, #tpu.memory_space<vmem>>
          %dma_wait3A_126 = tpu.memref_squeeze %dma_wait3A_125 : memref<1x128xi32, #tpu.memory_space<vmem>> -> memref<128xi32, #tpu.memory_space<vmem>>
          %dma_wait3A_127 = arith.constant 0 : i32
          %dma_wait3A_128 = arith.constant 0 : i32
          %dma_wait3A_129 = tpu.memref_slice %arg6[%dma_wait3A_127, %dma_wait3A_128] : memref<10112x128xf32, #tpu.memory_space<vmem_shared>> -> memref<10112x128xf32, #tpu.memory_space<vmem_shared>>
          tpu.wait_indirect_dma semaphore(%run_scoped3A_117 : memref<!tpu.dma_semaphore, #tpu.memory_space<semaphore_mem>>) src(%arg10 : memref<128x128xf32, #tpu.memory_space<vmem>>) dst(%dma_wait3A_129 : memref<10112x128xf32, #tpu.memory_space<vmem_shared>>)
          tpu.yield
        }) : () -> ()
        %add3A_109 = arith.constant 2 : i32
        %add3A_110 = arith.addi %add3A_102, %add3A_109 : i32
        %dma_start3A_111 = arith.constant 0 : i32
        %dma_start3A_112 = tpu.memref_slice %arg7[%add3A_110, %dma_start3A_111] : memref<32x128xi32, #tpu.memory_space<vmem>> -> memref<1x128xi32, #tpu.memory_space<vmem>>
        %dma_start3A_113 = tpu.memref_squeeze %dma_start3A_112 : memref<1x128xi32, #tpu.memory_space<vmem>> -> memref<128xi32, #tpu.memory_space<vmem>>
        %dma_start3A_114 = arith.constant 0 : i32
        %dma_start3A_115 = arith.constant 0 : i32
        %dma_start3A_116 = tpu.memref_slice %arg2[%dma_start3A_114, %dma_start3A_115] : memref<10000x128xf32, #tpu.memory_space<hbm>> -> memref<10000x128xf32, #tpu.memory_space<hbm>>
        tpu.enqueue_indirect_dma source(%dma_start3A_116 : memref<10000x128xf32, #tpu.memory_space<hbm>>) target(%arg10 : memref<128x128xf32, #tpu.memory_space<vmem>>) offsets(%dma_start3A_113 : memref<128xi32, #tpu.memory_space<vmem>>) semaphore(%arg12 : memref<!tpu.dma_semaphore, #tpu.memory_space<semaphore_mem>>)
      }
      %scan3A_67 = arith.constant 15 : i32
      %dma_wait3A = arith.constant 30 : i32
      %dma_wait3A_68 = arith.constant 0 : i32
      %dma_wait3A_69 = tpu.memref_slice %arg7[%dma_wait3A, %dma_wait3A_68] : memref<32x128xi32, #tpu.memory_space<vmem>> -> memref<1x128xi32, #tpu.memory_space<vmem>>
      %dma_wait3A_70 = tpu.memref_squeeze %dma_wait3A_69 : memref<1x128xi32, #tpu.memory_space<vmem>> -> memref<128xi32, #tpu.memory_space<vmem>>
      %dma_wait3A_71 = arith.constant 0 : i32
      %dma_wait3A_72 = arith.constant 0 : i32
      %dma_wait3A_73 = tpu.memref_slice %arg2[%dma_wait3A_71, %dma_wait3A_72] : memref<10000x128xf32, #tpu.memory_space<hbm>> -> memref<10000x128xf32, #tpu.memory_space<hbm>>
      tpu.wait_indirect_dma semaphore(%arg11 : memref<!tpu.dma_semaphore, #tpu.memory_space<semaphore_mem>>) src(%dma_wait3A_73 : memref<10000x128xf32, #tpu.memory_space<hbm>>) dst(%arg9 : memref<128x128xf32, #tpu.memory_space<vmem>>)
      %run_scoped3A = arith.constant 30 : i32
      "tpu.region"() ({
        %run_scoped3A_82 = tpu.sem_alloc : memref<!tpu.dma_semaphore, #tpu.memory_space<semaphore_mem>>
        %dma_start3A_83 = arith.constant 0 : i32
        %dma_start3A_84 = tpu.memref_slice %arg8[%run_scoped3A, %dma_start3A_83] : memref<32x128xi32, #tpu.memory_space<vmem>> -> memref<1x128xi32, #tpu.memory_space<vmem>>
        %dma_start3A_85 = tpu.memref_squeeze %dma_start3A_84 : memref<1x128xi32, #tpu.memory_space<vmem>> -> memref<128xi32, #tpu.memory_space<vmem>>
        %dma_start3A_86 = arith.constant 0 : i32
        %dma_start3A_87 = arith.constant 0 : i32
        %dma_start3A_88 = tpu.memref_slice %arg6[%dma_start3A_86, %dma_start3A_87] : memref<10112x128xf32, #tpu.memory_space<vmem_shared>> -> memref<10112x128xf32, #tpu.memory_space<vmem_shared>>
        tpu.enqueue_indirect_dma source(%arg9 : memref<128x128xf32, #tpu.memory_space<vmem>>) target(%dma_start3A_88 : memref<10112x128xf32, #tpu.memory_space<vmem_shared>>) offsets(%dma_start3A_85 : memref<128xi32, #tpu.memory_space<vmem>>) semaphore(%run_scoped3A_82 : memref<!tpu.dma_semaphore, #tpu.memory_space<semaphore_mem>>) {add = true}
        %dma_wait3A_89 = arith.constant 0 : i32
        %dma_wait3A_90 = tpu.memref_slice %arg8[%run_scoped3A, %dma_wait3A_89] : memref<32x128xi32, #tpu.memory_space<vmem>> -> memref<1x128xi32, #tpu.memory_space<vmem>>
        %dma_wait3A_91 = tpu.memref_squeeze %dma_wait3A_90 : memref<1x128xi32, #tpu.memory_space<vmem>> -> memref<128xi32, #tpu.memory_space<vmem>>
        %dma_wait3A_92 = arith.constant 0 : i32
        %dma_wait3A_93 = arith.constant 0 : i32
        %dma_wait3A_94 = tpu.memref_slice %arg6[%dma_wait3A_92, %dma_wait3A_93] : memref<10112x128xf32, #tpu.memory_space<vmem_shared>> -> memref<10112x128xf32, #tpu.memory_space<vmem_shared>>
        tpu.wait_indirect_dma semaphore(%run_scoped3A_82 : memref<!tpu.dma_semaphore, #tpu.memory_space<semaphore_mem>>) src(%arg9 : memref<128x128xf32, #tpu.memory_space<vmem>>) dst(%dma_wait3A_94 : memref<10112x128xf32, #tpu.memory_space<vmem_shared>>)
        tpu.yield
      }) : () -> ()
      %dma_wait3A_74 = arith.constant 31 : i32
      %dma_wait3A_75 = arith.constant 0 : i32
      %dma_wait3A_76 = tpu.memref_slice %arg7[%dma_wait3A_74, %dma_wait3A_75] : memref<32x128xi32, #tpu.memory_space<vmem>> -> memref<1x128xi32, #tpu.memory_space<vmem>>
      %dma_wait3A_77 = tpu.memref_squeeze %dma_wait3A_76 : memref<1x128xi32, #tpu.memory_space<vmem>> -> memref<128xi32, #tpu.memory_space<vmem>>
      %dma_wait3A_78 = arith.constant 0 : i32
      %dma_wait3A_79 = arith.constant 0 : i32
      %dma_wait3A_80 = tpu.memref_slice %arg2[%dma_wait3A_78, %dma_wait3A_79] : memref<10000x128xf32, #tpu.memory_space<hbm>> -> memref<10000x128xf32, #tpu.memory_space<hbm>>
      tpu.wait_indirect_dma semaphore(%arg12 : memref<!tpu.dma_semaphore, #tpu.memory_space<semaphore_mem>>) src(%dma_wait3A_80 : memref<10000x128xf32, #tpu.memory_space<hbm>>) dst(%arg10 : memref<128x128xf32, #tpu.memory_space<vmem>>)
      %run_scoped3A_81 = arith.constant 31 : i32
      "tpu.region"() ({
        %run_scoped3A_82 = tpu.sem_alloc : memref<!tpu.dma_semaphore, #tpu.memory_space<semaphore_mem>>
        %dma_start3A_83 = arith.constant 0 : i32
        %dma_start3A_84 = tpu.memref_slice %arg8[%run_scoped3A_81, %dma_start3A_83] : memref<32x128xi32, #tpu.memory_space<vmem>> -> memref<1x128xi32, #tpu.memory_space<vmem>>
        %dma_start3A_85 = tpu.memref_squeeze %dma_start3A_84 : memref<1x128xi32, #tpu.memory_space<vmem>> -> memref<128xi32, #tpu.memory_space<vmem>>
        %dma_start3A_86 = arith.constant 0 : i32
        %dma_start3A_87 = arith.constant 0 : i32
        %dma_start3A_88 = tpu.memref_slice %arg6[%dma_start3A_86, %dma_start3A_87] : memref<10112x128xf32, #tpu.memory_space<vmem_shared>> -> memref<10112x128xf32, #tpu.memory_space<vmem_shared>>
        tpu.enqueue_indirect_dma source(%arg10 : memref<128x128xf32, #tpu.memory_space<vmem>>) target(%dma_start3A_88 : memref<10112x128xf32, #tpu.memory_space<vmem_shared>>) offsets(%dma_start3A_85 : memref<128xi32, #tpu.memory_space<vmem>>) semaphore(%run_scoped3A_82 : memref<!tpu.dma_semaphore, #tpu.memory_space<semaphore_mem>>) {add = true}
        %dma_wait3A_89 = arith.constant 0 : i32
        %dma_wait3A_90 = tpu.memref_slice %arg8[%run_scoped3A_81, %dma_wait3A_89] : memref<32x128xi32, #tpu.memory_space<vmem>> -> memref<1x128xi32, #tpu.memory_space<vmem>>
        %dma_wait3A_91 = tpu.memref_squeeze %dma_wait3A_90 : memref<1x128xi32, #tpu.memory_space<vmem>> -> memref<128xi32, #tpu.memory_space<vmem>>
        %dma_wait3A_92 = arith.constant 0 : i32
        %dma_wait3A_93 = arith.constant 0 : i32
        %dma_wait3A_94 = tpu.memref_slice %arg6[%dma_wait3A_92, %dma_wait3A_93] : memref<10112x128xf32, #tpu.memory_space<vmem_shared>> -> memref<10112x128xf32, #tpu.memory_space<vmem_shared>>
        tpu.wait_indirect_dma semaphore(%run_scoped3A_82 : memref<!tpu.dma_semaphore, #tpu.memory_space<semaphore_mem>>) src(%arg10 : memref<128x128xf32, #tpu.memory_space<vmem>>) dst(%dma_wait3A_94 : memref<10112x128xf32, #tpu.memory_space<vmem_shared>>)
        tpu.yield
      }) : () -> ()
    }
    %while3A_39 = arith.constant 1 : i32
    scf.for %while3A_45 = %while3A_37 to %while3A_33 step %while3A_39  : i32 {
      %mul3A_46 = arith.constant 32 : i32
      %mul3A_47 = arith.muli %while3A_45, %mul3A_46 : i32
      %add3A_48 = arith.addi %select_n3A, %mul3A_47 : i32
      %multiple_of3A = tpu.assume_multiple %add3A_48, 32 : i32
      "tpu.region"() ({
        %run_scoped3A_82 = tpu.sem_alloc : memref<!tpu.dma_semaphore, #tpu.memory_space<semaphore_mem>>
        %dma_start3A_83 = arith.constant 0 : i32
        %dma_start3A_84 = tpu.memref_slice %arg3[%arg1, %multiple_of3A, %dma_start3A_83] : memref<16x160x128xi32, #tpu.memory_space<hbm>> -> memref<1x32x128xi32, #tpu.memory_space<hbm>>
        %dma_start3A_85 = tpu.memref_squeeze %dma_start3A_84 : memref<1x32x128xi32, #tpu.memory_space<hbm>> -> memref<32x128xi32, #tpu.memory_space<hbm>>
        %dma_start3A_86 = arith.constant 0 : i32
        %dma_start3A_87 = tpu.memref_slice %arg3[%arg1, %multiple_of3A, %dma_start3A_86] : memref<16x160x128xi32, #tpu.memory_space<hbm>> -> memref<1x32x128xi32, #tpu.memory_space<hbm>>
        %dma_start3A_88 = tpu.memref_squeeze %dma_start3A_87 : memref<1x32x128xi32, #tpu.memory_space<hbm>> -> memref<32x128xi32, #tpu.memory_space<hbm>>
        tpu.enqueue_dma source(%dma_start3A_88 : memref<32x128xi32, #tpu.memory_space<hbm>>) target(%arg7 : memref<32x128xi32, #tpu.memory_space<vmem>>) target_semaphore(%run_scoped3A_82 : memref<!tpu.dma_semaphore, #tpu.memory_space<semaphore_mem>>)
        %dma_wait3A_89 = arith.constant 0 : i32
        %dma_wait3A_90 = tpu.memref_slice %arg3[%arg1, %multiple_of3A, %dma_wait3A_89] : memref<16x160x128xi32, #tpu.memory_space<hbm>> -> memref<1x32x128xi32, #tpu.memory_space<hbm>>
        %dma_wait3A_91 = tpu.memref_squeeze %dma_wait3A_90 : memref<1x32x128xi32, #tpu.memory_space<hbm>> -> memref<32x128xi32, #tpu.memory_space<hbm>>
        %dma_wait3A_92 = arith.constant 0 : i32
        %dma_wait3A_93 = tpu.memref_slice %arg3[%arg1, %multiple_of3A, %dma_wait3A_92] : memref<16x160x128xi32, #tpu.memory_space<hbm>> -> memref<1x32x128xi32, #tpu.memory_space<hbm>>
        %dma_wait3A_94 = tpu.memref_squeeze %dma_wait3A_93 : memref<1x32x128xi32, #tpu.memory_space<hbm>> -> memref<32x128xi32, #tpu.memory_space<hbm>>
        tpu.wait_dma2 semaphore(%run_scoped3A_82 : memref<!tpu.dma_semaphore, #tpu.memory_space<semaphore_mem>>) src(%dma_wait3A_94 : memref<32x128xi32, #tpu.memory_space<hbm>>) dst(%arg7 : memref<32x128xi32, #tpu.memory_space<vmem>>)
        tpu.yield
      }) : () -> ()
      "tpu.region"() ({
        %run_scoped3A_82 = tpu.sem_alloc : memref<!tpu.dma_semaphore, #tpu.memory_space<semaphore_mem>>
        %dma_start3A_83 = arith.constant 0 : i32
        %dma_start3A_84 = tpu.memref_slice %arg4[%arg1, %multiple_of3A, %dma_start3A_83] : memref<16x160x128xi32, #tpu.memory_space<hbm>> -> memref<1x32x128xi32, #tpu.memory_space<hbm>>
        %dma_start3A_85 = tpu.memref_squeeze %dma_start3A_84 : memref<1x32x128xi32, #tpu.memory_space<hbm>> -> memref<32x128xi32, #tpu.memory_space<hbm>>
        %dma_start3A_86 = arith.constant 0 : i32
        %dma_start3A_87 = tpu.memref_slice %arg4[%arg1, %multiple_of3A, %dma_start3A_86] : memref<16x160x128xi32, #tpu.memory_space<hbm>> -> memref<1x32x128xi32, #tpu.memory_space<hbm>>
        %dma_start3A_88 = tpu.memref_squeeze %dma_start3A_87 : memref<1x32x128xi32, #tpu.memory_space<hbm>> -> memref<32x128xi32, #tpu.memory_space<hbm>>
        tpu.enqueue_dma source(%dma_start3A_88 : memref<32x128xi32, #tpu.memory_space<hbm>>) target(%arg8 : memref<32x128xi32, #tpu.memory_space<vmem>>) target_semaphore(%run_scoped3A_82 : memref<!tpu.dma_semaphore, #tpu.memory_space<semaphore_mem>>)
        %dma_wait3A_89 = arith.constant 0 : i32
        %dma_wait3A_90 = tpu.memref_slice %arg4[%arg1, %multiple_of3A, %dma_wait3A_89] : memref<16x160x128xi32, #tpu.memory_space<hbm>> -> memref<1x32x128xi32, #tpu.memory_space<hbm>>
        %dma_wait3A_91 = tpu.memref_squeeze %dma_wait3A_90 : memref<1x32x128xi32, #tpu.memory_space<hbm>> -> memref<32x128xi32, #tpu.memory_space<hbm>>
        %dma_wait3A_92 = arith.constant 0 : i32
        %dma_wait3A_93 = tpu.memref_slice %arg4[%arg1, %multiple_of3A, %dma_wait3A_92] : memref<16x160x128xi32, #tpu.memory_space<hbm>> -> memref<1x32x128xi32, #tpu.memory_space<hbm>>
        %dma_wait3A_94 = tpu.memref_squeeze %dma_wait3A_93 : memref<1x32x128xi32, #tpu.memory_space<hbm>> -> memref<32x128xi32, #tpu.memory_space<hbm>>
        tpu.wait_dma2 semaphore(%run_scoped3A_82 : memref<!tpu.dma_semaphore, #tpu.memory_space<semaphore_mem>>) src(%dma_wait3A_94 : memref<32x128xi32, #tpu.memory_space<hbm>>) dst(%arg8 : memref<32x128xi32, #tpu.memory_space<vmem>>)
        tpu.yield
      }) : () -> ()
      %dma_start3A = arith.constant 0 : i32
      %dma_start3A_49 = arith.constant 0 : i32
      %dma_start3A_50 = tpu.memref_slice %arg7[%dma_start3A, %dma_start3A_49] : memref<32x128xi32, #tpu.memory_space<vmem>> -> memref<1x128xi32, #tpu.memory_space<vmem>>
      %dma_start3A_51 = tpu.memref_squeeze %dma_start3A_50 : memref<1x128xi32, #tpu.memory_space<vmem>> -> memref<128xi32, #tpu.memory_space<vmem>>
      %dma_start3A_52 = arith.constant 0 : i32
      %dma_start3A_53 = arith.constant 0 : i32
      %dma_start3A_54 = tpu.memref_slice %arg2[%dma_start3A_52, %dma_start3A_53] : memref<10000x128xf32, #tpu.memory_space<hbm>> -> memref<10000x128xf32, #tpu.memory_space<hbm>>
      tpu.enqueue_indirect_dma source(%dma_start3A_54 : memref<10000x128xf32, #tpu.memory_space<hbm>>) target(%arg9 : memref<128x128xf32, #tpu.memory_space<vmem>>) offsets(%dma_start3A_51 : memref<128xi32, #tpu.memory_space<vmem>>) semaphore(%arg11 : memref<!tpu.dma_semaphore, #tpu.memory_space<semaphore_mem>>)
      %dma_start3A_55 = arith.constant 1 : i32
      %dma_start3A_56 = arith.constant 0 : i32
      %dma_start3A_57 = tpu.memref_slice %arg7[%dma_start3A_55, %dma_start3A_56] : memref<32x128xi32, #tpu.memory_space<vmem>> -> memref<1x128xi32, #tpu.memory_space<vmem>>
      %dma_start3A_58 = tpu.memref_squeeze %dma_start3A_57 : memref<1x128xi32, #tpu.memory_space<vmem>> -> memref<128xi32, #tpu.memory_space<vmem>>
      %dma_start3A_59 = arith.constant 0 : i32
      %dma_start3A_60 = arith.constant 0 : i32
      %dma_start3A_61 = tpu.memref_slice %arg2[%dma_start3A_59, %dma_start3A_60] : memref<10000x128xf32, #tpu.memory_space<hbm>> -> memref<10000x128xf32, #tpu.memory_space<hbm>>
      tpu.enqueue_indirect_dma source(%dma_start3A_61 : memref<10000x128xf32, #tpu.memory_space<hbm>>) target(%arg10 : memref<128x128xf32, #tpu.memory_space<vmem>>) offsets(%dma_start3A_58 : memref<128xi32, #tpu.memory_space<vmem>>) semaphore(%arg12 : memref<!tpu.dma_semaphore, #tpu.memory_space<semaphore_mem>>)
      %scan3A_62 = arith.constant 0 : i32
      %scan3A_63 = arith.constant 0 : i32
      %scan3A_64 = arith.constant 15 : i32
      %scan3A_65 = arith.addi %scan3A_63, %scan3A_64 : i32
      %scan3A_66 = arith.constant 1 : i32
      scf.for %scan3A_82 = %scan3A_63 to %scan3A_65 step %scan3A_66  : i32 {
        %mul3A_83 = arith.constant 2 : i32
        %mul3A_84 = arith.muli %scan3A_82, %mul3A_83 : i32
        %add3A_85 = arith.constant 0 : i32
        %add3A_86 = arith.addi %mul3A_84, %add3A_85 : i32
        %dma_wait3A_87 = arith.constant 0 : i32
        %dma_wait3A_88 = tpu.memref_slice %arg7[%add3A_86, %dma_wait3A_87] : memref<32x128xi32, #tpu.memory_space<vmem>> -> memref<1x128xi32, #tpu.memory_space<vmem>>
        %dma_wait3A_89 = tpu.memref_squeeze %dma_wait3A_88 : memref<1x128xi32, #tpu.memory_space<vmem>> -> memref<128xi32, #tpu.memory_space<vmem>>
        %dma_wait3A_90 = arith.constant 0 : i32
        %dma_wait3A_91 = arith.constant 0 : i32
        %dma_wait3A_92 = tpu.memref_slice %arg2[%dma_wait3A_90, %dma_wait3A_91] : memref<10000x128xf32, #tpu.memory_space<hbm>> -> memref<10000x128xf32, #tpu.memory_space<hbm>>
        tpu.wait_indirect_dma semaphore(%arg11 : memref<!tpu.dma_semaphore, #tpu.memory_space<semaphore_mem>>) src(%dma_wait3A_92 : memref<10000x128xf32, #tpu.memory_space<hbm>>) dst(%arg9 : memref<128x128xf32, #tpu.memory_space<vmem>>)
        "tpu.region"() ({
          %run_scoped3A_117 = tpu.sem_alloc : memref<!tpu.dma_semaphore, #tpu.memory_space<semaphore_mem>>
          %dma_start3A_118 = arith.constant 0 : i32
          %dma_start3A_119 = tpu.memref_slice %arg8[%add3A_86, %dma_start3A_118] : memref<32x128xi32, #tpu.memory_space<vmem>> -> memref<1x128xi32, #tpu.memory_space<vmem>>
          %dma_start3A_120 = tpu.memref_squeeze %dma_start3A_119 : memref<1x128xi32, #tpu.memory_space<vmem>> -> memref<128xi32, #tpu.memory_space<vmem>>
          %dma_start3A_121 = arith.constant 0 : i32
          %dma_start3A_122 = arith.constant 0 : i32
          %dma_start3A_123 = tpu.memref_slice %arg6[%dma_start3A_121, %dma_start3A_122] : memref<10112x128xf32, #tpu.memory_space<vmem_shared>> -> memref<10112x128xf32, #tpu.memory_space<vmem_shared>>
          tpu.enqueue_indirect_dma source(%arg9 : memref<128x128xf32, #tpu.memory_space<vmem>>) target(%dma_start3A_123 : memref<10112x128xf32, #tpu.memory_space<vmem_shared>>) offsets(%dma_start3A_120 : memref<128xi32, #tpu.memory_space<vmem>>) semaphore(%run_scoped3A_117 : memref<!tpu.dma_semaphore, #tpu.memory_space<semaphore_mem>>) {add = true}
          %dma_wait3A_124 = arith.constant 0 : i32
          %dma_wait3A_125 = tpu.memref_slice %arg8[%add3A_86, %dma_wait3A_124] : memref<32x128xi32, #tpu.memory_space<vmem>> -> memref<1x128xi32, #tpu.memory_space<vmem>>
          %dma_wait3A_126 = tpu.memref_squeeze %dma_wait3A_125 : memref<1x128xi32, #tpu.memory_space<vmem>> -> memref<128xi32, #tpu.memory_space<vmem>>
          %dma_wait3A_127 = arith.constant 0 : i32
          %dma_wait3A_128 = arith.constant 0 : i32
          %dma_wait3A_129 = tpu.memref_slice %arg6[%dma_wait3A_127, %dma_wait3A_128] : memref<10112x128xf32, #tpu.memory_space<vmem_shared>> -> memref<10112x128xf32, #tpu.memory_space<vmem_shared>>
          tpu.wait_indirect_dma semaphore(%run_scoped3A_117 : memref<!tpu.dma_semaphore, #tpu.memory_space<semaphore_mem>>) src(%arg9 : memref<128x128xf32, #tpu.memory_space<vmem>>) dst(%dma_wait3A_129 : memref<10112x128xf32, #tpu.memory_space<vmem_shared>>)
          tpu.yield
        }) : () -> ()
        %add3A_93 = arith.constant 2 : i32
        %add3A_94 = arith.addi %add3A_86, %add3A_93 : i32
        %dma_start3A_95 = arith.constant 0 : i32
        %dma_start3A_96 = tpu.memref_slice %arg7[%add3A_94, %dma_start3A_95] : memref<32x128xi32, #tpu.memory_space<vmem>> -> memref<1x128xi32, #tpu.memory_space<vmem>>
        %dma_start3A_97 = tpu.memref_squeeze %dma_start3A_96 : memref<1x128xi32, #tpu.memory_space<vmem>> -> memref<128xi32, #tpu.memory_space<vmem>>
        %dma_start3A_98 = arith.constant 0 : i32
        %dma_start3A_99 = arith.constant 0 : i32
        %dma_start3A_100 = tpu.memref_slice %arg2[%dma_start3A_98, %dma_start3A_99] : memref<10000x128xf32, #tpu.memory_space<hbm>> -> memref<10000x128xf32, #tpu.memory_space<hbm>>
        tpu.enqueue_indirect_dma source(%dma_start3A_100 : memref<10000x128xf32, #tpu.memory_space<hbm>>) target(%arg9 : memref<128x128xf32, #tpu.memory_space<vmem>>) offsets(%dma_start3A_97 : memref<128xi32, #tpu.memory_space<vmem>>) semaphore(%arg11 : memref<!tpu.dma_semaphore, #tpu.memory_space<semaphore_mem>>)
        %add3A_101 = arith.constant 1 : i32
        %add3A_102 = arith.addi %mul3A_84, %add3A_101 : i32
        %dma_wait3A_103 = arith.constant 0 : i32
        %dma_wait3A_104 = tpu.memref_slice %arg7[%add3A_102, %dma_wait3A_103] : memref<32x128xi32, #tpu.memory_space<vmem>> -> memref<1x128xi32, #tpu.memory_space<vmem>>
        %dma_wait3A_105 = tpu.memref_squeeze %dma_wait3A_104 : memref<1x128xi32, #tpu.memory_space<vmem>> -> memref<128xi32, #tpu.memory_space<vmem>>
        %dma_wait3A_106 = arith.constant 0 : i32
        %dma_wait3A_107 = arith.constant 0 : i32
        %dma_wait3A_108 = tpu.memref_slice %arg2[%dma_wait3A_106, %dma_wait3A_107] : memref<10000x128xf32, #tpu.memory_space<hbm>> -> memref<10000x128xf32, #tpu.memory_space<hbm>>
        tpu.wait_indirect_dma semaphore(%arg12 : memref<!tpu.dma_semaphore, #tpu.memory_space<semaphore_mem>>) src(%dma_wait3A_108 : memref<10000x128xf32, #tpu.memory_space<hbm>>) dst(%arg10 : memref<128x128xf32, #tpu.memory_space<vmem>>)
        "tpu.region"() ({
          %run_scoped3A_117 = tpu.sem_alloc : memref<!tpu.dma_semaphore, #tpu.memory_space<semaphore_mem>>
          %dma_start3A_118 = arith.constant 0 : i32
          %dma_start3A_119 = tpu.memref_slice %arg8[%add3A_102, %dma_start3A_118] : memref<32x128xi32, #tpu.memory_space<vmem>> -> memref<1x128xi32, #tpu.memory_space<vmem>>
          %dma_start3A_120 = tpu.memref_squeeze %dma_start3A_119 : memref<1x128xi32, #tpu.memory_space<vmem>> -> memref<128xi32, #tpu.memory_space<vmem>>
          %dma_start3A_121 = arith.constant 0 : i32
          %dma_start3A_122 = arith.constant 0 : i32
          %dma_start3A_123 = tpu.memref_slice %arg6[%dma_start3A_121, %dma_start3A_122] : memref<10112x128xf32, #tpu.memory_space<vmem_shared>> -> memref<10112x128xf32, #tpu.memory_space<vmem_shared>>
          tpu.enqueue_indirect_dma source(%arg10 : memref<128x128xf32, #tpu.memory_space<vmem>>) target(%dma_start3A_123 : memref<10112x128xf32, #tpu.memory_space<vmem_shared>>) offsets(%dma_start3A_120 : memref<128xi32, #tpu.memory_space<vmem>>) semaphore(%run_scoped3A_117 : memref<!tpu.dma_semaphore, #tpu.memory_space<semaphore_mem>>) {add = true}
          %dma_wait3A_124 = arith.constant 0 : i32
          %dma_wait3A_125 = tpu.memref_slice %arg8[%add3A_102, %dma_wait3A_124] : memref<32x128xi32, #tpu.memory_space<vmem>> -> memref<1x128xi32, #tpu.memory_space<vmem>>
          %dma_wait3A_126 = tpu.memref_squeeze %dma_wait3A_125 : memref<1x128xi32, #tpu.memory_space<vmem>> -> memref<128xi32, #tpu.memory_space<vmem>>
          %dma_wait3A_127 = arith.constant 0 : i32
          %dma_wait3A_128 = arith.constant 0 : i32
          %dma_wait3A_129 = tpu.memref_slice %arg6[%dma_wait3A_127, %dma_wait3A_128] : memref<10112x128xf32, #tpu.memory_space<vmem_shared>> -> memref<10112x128xf32, #tpu.memory_space<vmem_shared>>
          tpu.wait_indirect_dma semaphore(%run_scoped3A_117 : memref<!tpu.dma_semaphore, #tpu.memory_space<semaphore_mem>>) src(%arg10 : memref<128x128xf32, #tpu.memory_space<vmem>>) dst(%dma_wait3A_129 : memref<10112x128xf32, #tpu.memory_space<vmem_shared>>)
          tpu.yield
        }) : () -> ()
        %add3A_109 = arith.constant 2 : i32
        %add3A_110 = arith.addi %add3A_102, %add3A_109 : i32
        %dma_start3A_111 = arith.constant 0 : i32
        %dma_start3A_112 = tpu.memref_slice %arg7[%add3A_110, %dma_start3A_111] : memref<32x128xi32, #tpu.memory_space<vmem>> -> memref<1x128xi32, #tpu.memory_space<vmem>>
        %dma_start3A_113 = tpu.memref_squeeze %dma_start3A_112 : memref<1x128xi32, #tpu.memory_space<vmem>> -> memref<128xi32, #tpu.memory_space<vmem>>
        %dma_start3A_114 = arith.constant 0 : i32
        %dma_start3A_115 = arith.constant 0 : i32
        %dma_start3A_116 = tpu.memref_slice %arg2[%dma_start3A_114, %dma_start3A_115] : memref<10000x128xf32, #tpu.memory_space<hbm>> -> memref<10000x128xf32, #tpu.memory_space<hbm>>
        tpu.enqueue_indirect_dma source(%dma_start3A_116 : memref<10000x128xf32, #tpu.memory_space<hbm>>) target(%arg10 : memref<128x128xf32, #tpu.memory_space<vmem>>) offsets(%dma_start3A_113 : memref<128xi32, #tpu.memory_space<vmem>>) semaphore(%arg12 : memref<!tpu.dma_semaphore, #tpu.memory_space<semaphore_mem>>)
      }
      %scan3A_67 = arith.constant 15 : i32
      %dma_wait3A = arith.constant 30 : i32
      %dma_wait3A_68 = arith.constant 0 : i32
      %dma_wait3A_69 = tpu.memref_slice %arg7[%dma_wait3A, %dma_wait3A_68] : memref<32x128xi32, #tpu.memory_space<vmem>> -> memref<1x128xi32, #tpu.memory_space<vmem>>
      %dma_wait3A_70 = tpu.memref_squeeze %dma_wait3A_69 : memref<1x128xi32, #tpu.memory_space<vmem>> -> memref<128xi32, #tpu.memory_space<vmem>>
      %dma_wait3A_71 = arith.constant 0 : i32
      %dma_wait3A_72 = arith.constant 0 : i32
      %dma_wait3A_73 = tpu.memref_slice %arg2[%dma_wait3A_71, %dma_wait3A_72] : memref<10000x128xf32, #tpu.memory_space<hbm>> -> memref<10000x128xf32, #tpu.memory_space<hbm>>
      tpu.wait_indirect_dma semaphore(%arg11 : memref<!tpu.dma_semaphore, #tpu.memory_space<semaphore_mem>>) src(%dma_wait3A_73 : memref<10000x128xf32, #tpu.memory_space<hbm>>) dst(%arg9 : memref<128x128xf32, #tpu.memory_space<vmem>>)
      %run_scoped3A = arith.constant 30 : i32
      "tpu.region"() ({
        %run_scoped3A_82 = tpu.sem_alloc : memref<!tpu.dma_semaphore, #tpu.memory_space<semaphore_mem>>
        %dma_start3A_83 = arith.constant 0 : i32
        %dma_start3A_84 = tpu.memref_slice %arg8[%run_scoped3A, %dma_start3A_83] : memref<32x128xi32, #tpu.memory_space<vmem>> -> memref<1x128xi32, #tpu.memory_space<vmem>>
        %dma_start3A_85 = tpu.memref_squeeze %dma_start3A_84 : memref<1x128xi32, #tpu.memory_space<vmem>> -> memref<128xi32, #tpu.memory_space<vmem>>
        %dma_start3A_86 = arith.constant 0 : i32
        %dma_start3A_87 = arith.constant 0 : i32
        %dma_start3A_88 = tpu.memref_slice %arg6[%dma_start3A_86, %dma_start3A_87] : memref<10112x128xf32, #tpu.memory_space<vmem_shared>> -> memref<10112x128xf32, #tpu.memory_space<vmem_shared>>
        tpu.enqueue_indirect_dma source(%arg9 : memref<128x128xf32, #tpu.memory_space<vmem>>) target(%dma_start3A_88 : memref<10112x128xf32, #tpu.memory_space<vmem_shared>>) offsets(%dma_start3A_85 : memref<128xi32, #tpu.memory_space<vmem>>) semaphore(%run_scoped3A_82 : memref<!tpu.dma_semaphore, #tpu.memory_space<semaphore_mem>>) {add = true}
        %dma_wait3A_89 = arith.constant 0 : i32
        %dma_wait3A_90 = tpu.memref_slice %arg8[%run_scoped3A, %dma_wait3A_89] : memref<32x128xi32, #tpu.memory_space<vmem>> -> memref<1x128xi32, #tpu.memory_space<vmem>>
        %dma_wait3A_91 = tpu.memref_squeeze %dma_wait3A_90 : memref<1x128xi32, #tpu.memory_space<vmem>> -> memref<128xi32, #tpu.memory_space<vmem>>
        %dma_wait3A_92 = arith.constant 0 : i32
        %dma_wait3A_93 = arith.constant 0 : i32
        %dma_wait3A_94 = tpu.memref_slice %arg6[%dma_wait3A_92, %dma_wait3A_93] : memref<10112x128xf32, #tpu.memory_space<vmem_shared>> -> memref<10112x128xf32, #tpu.memory_space<vmem_shared>>
        tpu.wait_indirect_dma semaphore(%run_scoped3A_82 : memref<!tpu.dma_semaphore, #tpu.memory_space<semaphore_mem>>) src(%arg9 : memref<128x128xf32, #tpu.memory_space<vmem>>) dst(%dma_wait3A_94 : memref<10112x128xf32, #tpu.memory_space<vmem_shared>>)
        tpu.yield
      }) : () -> ()
      %dma_wait3A_74 = arith.constant 31 : i32
      %dma_wait3A_75 = arith.constant 0 : i32
      %dma_wait3A_76 = tpu.memref_slice %arg7[%dma_wait3A_74, %dma_wait3A_75] : memref<32x128xi32, #tpu.memory_space<vmem>> -> memref<1x128xi32, #tpu.memory_space<vmem>>
      %dma_wait3A_77 = tpu.memref_squeeze %dma_wait3A_76 : memref<1x128xi32, #tpu.memory_space<vmem>> -> memref<128xi32, #tpu.memory_space<vmem>>
      %dma_wait3A_78 = arith.constant 0 : i32
      %dma_wait3A_79 = arith.constant 0 : i32
      %dma_wait3A_80 = tpu.memref_slice %arg2[%dma_wait3A_78, %dma_wait3A_79] : memref<10000x128xf32, #tpu.memory_space<hbm>> -> memref<10000x128xf32, #tpu.memory_space<hbm>>
      tpu.wait_indirect_dma semaphore(%arg12 : memref<!tpu.dma_semaphore, #tpu.memory_space<semaphore_mem>>) src(%dma_wait3A_80 : memref<10000x128xf32, #tpu.memory_space<hbm>>) dst(%arg10 : memref<128x128xf32, #tpu.memory_space<vmem>>)
      %run_scoped3A_81 = arith.constant 31 : i32
      "tpu.region"() ({
        %run_scoped3A_82 = tpu.sem_alloc : memref<!tpu.dma_semaphore, #tpu.memory_space<semaphore_mem>>
        %dma_start3A_83 = arith.constant 0 : i32
        %dma_start3A_84 = tpu.memref_slice %arg8[%run_scoped3A_81, %dma_start3A_83] : memref<32x128xi32, #tpu.memory_space<vmem>> -> memref<1x128xi32, #tpu.memory_space<vmem>>
        %dma_start3A_85 = tpu.memref_squeeze %dma_start3A_84 : memref<1x128xi32, #tpu.memory_space<vmem>> -> memref<128xi32, #tpu.memory_space<vmem>>
        %dma_start3A_86 = arith.constant 0 : i32
        %dma_start3A_87 = arith.constant 0 : i32
        %dma_start3A_88 = tpu.memref_slice %arg6[%dma_start3A_86, %dma_start3A_87] : memref<10112x128xf32, #tpu.memory_space<vmem_shared>> -> memref<10112x128xf32, #tpu.memory_space<vmem_shared>>
        tpu.enqueue_indirect_dma source(%arg10 : memref<128x128xf32, #tpu.memory_space<vmem>>) target(%dma_start3A_88 : memref<10112x128xf32, #tpu.memory_space<vmem_shared>>) offsets(%dma_start3A_85 : memref<128xi32, #tpu.memory_space<vmem>>) semaphore(%run_scoped3A_82 : memref<!tpu.dma_semaphore, #tpu.memory_space<semaphore_mem>>) {add = true}
        %dma_wait3A_89 = arith.constant 0 : i32
        %dma_wait3A_90 = tpu.memref_slice %arg8[%run_scoped3A_81, %dma_wait3A_89] : memref<32x128xi32, #tpu.memory_space<vmem>> -> memref<1x128xi32, #tpu.memory_space<vmem>>
        %dma_wait3A_91 = tpu.memref_squeeze %dma_wait3A_90 : memref<1x128xi32, #tpu.memory_space<vmem>> -> memref<128xi32, #tpu.memory_space<vmem>>
        %dma_wait3A_92 = arith.constant 0 : i32
        %dma_wait3A_93 = arith.constant 0 : i32
        %dma_wait3A_94 = tpu.memref_slice %arg6[%dma_wait3A_92, %dma_wait3A_93] : memref<10112x128xf32, #tpu.memory_space<vmem_shared>> -> memref<10112x128xf32, #tpu.memory_space<vmem_shared>>
        tpu.wait_indirect_dma semaphore(%run_scoped3A_82 : memref<!tpu.dma_semaphore, #tpu.memory_space<semaphore_mem>>) src(%arg10 : memref<128x128xf32, #tpu.memory_space<vmem>>) dst(%dma_wait3A_94 : memref<10112x128xf32, #tpu.memory_space<vmem_shared>>)
        tpu.yield
      }) : () -> ()
    }
    %barrier3A_40 = arith.constant 0 : index
    tpu.barrier barrier_id(%barrier3A_40)
    %mul3A_41 = arith.constant 632 : i32
    %mul3A_42 = arith.muli %arg1, %mul3A_41 : i32
    %mul3A_43 = arith.constant 632 : i32
    %mul3A_44 = arith.muli %arg1, %mul3A_43 : i32
    "tpu.region"() ({
      %run_scoped3A = tpu.sem_alloc : memref<!tpu.dma_semaphore, #tpu.memory_space<semaphore_mem>>
      %dma_start3A = arith.constant 0 : i32
      %dma_start3A_45 = tpu.memref_slice %arg5[%arg0, %mul3A_44, %dma_start3A] : memref<2x10112x128xf32, #tpu.memory_space<hbm>> -> memref<1x632x128xf32, #tpu.memory_space<hbm>>
      %dma_start3A_46 = tpu.memref_squeeze %dma_start3A_45 : memref<1x632x128xf32, #tpu.memory_space<hbm>> -> memref<632x128xf32, #tpu.memory_space<hbm>>
      %dma_start3A_47 = arith.constant 0 : i32
      %dma_start3A_48 = tpu.memref_slice %arg6[%mul3A_42, %dma_start3A_47] : memref<10112x128xf32, #tpu.memory_space<vmem_shared>> -> memref<632x128xf32, #tpu.memory_space<vmem_shared>>
      tpu.enqueue_dma source(%dma_start3A_48 : memref<632x128xf32, #tpu.memory_space<vmem_shared>>) target(%dma_start3A_46 : memref<632x128xf32, #tpu.memory_space<hbm>>) target_semaphore(%run_scoped3A : memref<!tpu.dma_semaphore, #tpu.memory_space<semaphore_mem>>)
      %dma_wait3A = arith.constant 0 : i32
      %dma_wait3A_49 = tpu.memref_slice %arg5[%arg0, %mul3A_44, %dma_wait3A] : memref<2x10112x128xf32, #tpu.memory_space<hbm>> -> memref<1x632x128xf32, #tpu.memory_space<hbm>>
      %dma_wait3A_50 = tpu.memref_squeeze %dma_wait3A_49 : memref<1x632x128xf32, #tpu.memory_space<hbm>> -> memref<632x128xf32, #tpu.memory_space<hbm>>
      %dma_wait3A_51 = arith.constant 0 : i32
      %dma_wait3A_52 = tpu.memref_slice %arg6[%mul3A_42, %dma_wait3A_51] : memref<10112x128xf32, #tpu.memory_space<vmem_shared>> -> memref<632x128xf32, #tpu.memory_space<vmem_shared>>
      tpu.wait_dma2 semaphore(%run_scoped3A : memref<!tpu.dma_semaphore, #tpu.memory_space<semaphore_mem>>) src(%dma_wait3A_52 : memref<632x128xf32, #tpu.memory_space<vmem_shared>>) dst(%dma_wait3A_50 : memref<632x128xf32, #tpu.memory_space<hbm>>)
      tpu.yield
    }) : () -> ()
    return
  }
}

module attributes {stable_mosaic.version = 14 : i64} {
  func.func @_mlp_body(%arg0: memref<10000x128xf32, #tpu.memory_space<vmem>>, %arg1: memref<2x10112x128xf32, #tpu.memory_space<vmem>>, %arg2: memref<128x128xf32, #tpu.memory_space<vmem>>, %arg3: memref<1x128xf32, #tpu.memory_space<vmem>>, %arg4: memref<1x128xf32, #tpu.memory_space<vmem>>, %arg5: memref<1x128xf32, #tpu.memory_space<vmem>>, %arg6: memref<128x128xf32, #tpu.memory_space<vmem>>, %arg7: memref<1x128xf32, #tpu.memory_space<vmem>>, %arg8: memref<10000x128xf32, #tpu.memory_space<vmem>>) attributes {dimension_semantics = [], scalar_prefetch = 0 : i64, scratch_operands = 0 : i64, tpu.core_type = #tpu.core_type<tc>} {
    %get3A = arith.constant 0 : index
    %get3A_0 = arith.constant 0 : index
    %get3A_1 = vector.load %arg0[%get3A, %get3A_0] : memref<10000x128xf32, #tpu.memory_space<vmem>>, vector<10000x128xf32>
    %get3A_2 = arith.constant 0 : index
    %get3A_3 = arith.constant 0 : index
    %get3A_4 = arith.constant 0 : index
    %get3A_5 = vector.load %arg1[%get3A_2, %get3A_3, %get3A_4] : memref<2x10112x128xf32, #tpu.memory_space<vmem>>, vector<1x10000x128xf32>
    %get3A_6 = vector.shape_cast %get3A_5 : vector<1x10000x128xf32> to vector<10000x128xf32>
    %add3A = arith.addf %get3A_1, %get3A_6 : vector<10000x128xf32>
    %get3A_7 = arith.constant 1 : index
    %get3A_8 = arith.constant 0 : index
    %get3A_9 = arith.constant 0 : index
    %get3A_10 = vector.load %arg1[%get3A_7, %get3A_8, %get3A_9] : memref<2x10112x128xf32, #tpu.memory_space<vmem>>, vector<1x10000x128xf32>
    %get3A_11 = vector.shape_cast %get3A_10 : vector<1x10000x128xf32> to vector<10000x128xf32>
    %add3A_12 = arith.addf %add3A, %get3A_11 : vector<10000x128xf32>
    %get3A_13 = arith.constant 0 : index
    %get3A_14 = arith.constant 0 : index
    %get3A_15 = vector.load %arg2[%get3A_13, %get3A_14] : memref<128x128xf32, #tpu.memory_space<vmem>>, vector<128x128xf32>
    %transpose3A = tpu.transpose %get3A_15, [1, 0] : vector<128x128xf32> -> vector<128x128xf32>
    %dot_general3A = arith.constant dense<0.000000e+00> : vector<10000x128xf32>
    %dot_general3A_16 = tpu.matmul %add3A_12, %transpose3A, %dot_general3A {dimension_numbers = #tpu.dot_dimension_numbers<[1], [0], [0], [1], [0, 0, 1, 1], [], []>, transpose_lhs_hint = false} : vector<10000x128xf32>, vector<128x128xf32>, vector<10000x128xf32> -> vector<10000x128xf32>
    %get3A_17 = arith.constant 0 : index
    %get3A_18 = arith.constant 0 : index
    %get3A_19 = vector.load %arg3[%get3A_17, %get3A_18] : memref<1x128xf32, #tpu.memory_space<vmem>>, vector<1x128xf32>
    %add3A_20 = vector.broadcast %get3A_19 : vector<1x128xf32> to vector<10000x128xf32>
    %add3A_21 = arith.addf %dot_general3A_16, %add3A_20 : vector<10000x128xf32>
    %reduce_sum3A = arith.constant dense<0.000000e+00> : vector<128xf32>
    %reduce_sum3A_22 = vector.multi_reduction <add>, %add3A_21, %reduce_sum3A [0] : vector<10000x128xf32> to vector<128xf32>
    %broadcast_in_dim3A = vector.shape_cast %reduce_sum3A_22 : vector<128xf32> to vector<1x128xf32>
    %div3A = arith.constant 1.000000e+04 : f32
    %div3A_23 = vector.broadcast %div3A : f32 to vector<1x128xf32>
    %div3A_24 = arith.divf %broadcast_in_dim3A, %div3A_23 : vector<1x128xf32>
    %sub3A = vector.broadcast %div3A_24 : vector<1x128xf32> to vector<10000x128xf32>
    %sub3A_25 = arith.subf %add3A_21, %sub3A : vector<10000x128xf32>
    %integer_pow3A = arith.mulf %sub3A_25, %sub3A_25 : vector<10000x128xf32>
    %reduce_sum3A_26 = arith.constant dense<0.000000e+00> : vector<128xf32>
    %reduce_sum3A_27 = vector.multi_reduction <add>, %integer_pow3A, %reduce_sum3A_26 [0] : vector<10000x128xf32> to vector<128xf32>
    %broadcast_in_dim3A_28 = vector.shape_cast %reduce_sum3A_27 : vector<128xf32> to vector<1x128xf32>
    %div3A_29 = arith.constant 1.000000e+04 : f32
    %div3A_30 = vector.broadcast %div3A_29 : f32 to vector<1x128xf32>
    %div3A_31 = arith.divf %broadcast_in_dim3A_28, %div3A_30 : vector<1x128xf32>
    %sub3A_32 = vector.broadcast %div3A_24 : vector<1x128xf32> to vector<10000x128xf32>
    %sub3A_33 = arith.subf %add3A_21, %sub3A_32 : vector<10000x128xf32>
    %add3A_34 = arith.constant 9.99999974E-6 : f32
    %add3A_35 = vector.broadcast %add3A_34 : f32 to vector<1x128xf32>
    %add3A_36 = arith.addf %div3A_31, %add3A_35 : vector<1x128xf32>
    %rsqrt3A = math.rsqrt %add3A_36 : vector<1x128xf32>
    %mul3A = vector.broadcast %rsqrt3A : vector<1x128xf32> to vector<10000x128xf32>
    %mul3A_37 = arith.mulf %sub3A_33, %mul3A : vector<10000x128xf32>
    %get3A_38 = arith.constant 0 : index
    %get3A_39 = arith.constant 0 : index
    %get3A_40 = vector.load %arg4[%get3A_38, %get3A_39] : memref<1x128xf32, #tpu.memory_space<vmem>>, vector<1x128xf32>
    %mul3A_41 = vector.broadcast %get3A_40 : vector<1x128xf32> to vector<10000x128xf32>
    %mul3A_42 = arith.mulf %mul3A_37, %mul3A_41 : vector<10000x128xf32>
    %get3A_43 = arith.constant 0 : index
    %get3A_44 = arith.constant 0 : index
    %get3A_45 = vector.load %arg5[%get3A_43, %get3A_44] : memref<1x128xf32, #tpu.memory_space<vmem>>, vector<1x128xf32>
    %add3A_46 = vector.broadcast %get3A_45 : vector<1x128xf32> to vector<10000x128xf32>
    %add3A_47 = arith.addf %mul3A_42, %add3A_46 : vector<10000x128xf32>
    %max3A = arith.constant 0.000000e+00 : f32
    %max3A_48 = vector.broadcast %max3A : f32 to vector<10000x128xf32>
    %max3A_49 = arith.maximumf %add3A_47, %max3A_48 : vector<10000x128xf32>
    %get3A_50 = arith.constant 0 : index
    %get3A_51 = arith.constant 0 : index
    %get3A_52 = vector.load %arg6[%get3A_50, %get3A_51] : memref<128x128xf32, #tpu.memory_space<vmem>>, vector<128x128xf32>
    %transpose3A_53 = tpu.transpose %get3A_52, [1, 0] : vector<128x128xf32> -> vector<128x128xf32>
    %dot_general3A_54 = arith.constant dense<0.000000e+00> : vector<10000x128xf32>
    %dot_general3A_55 = tpu.matmul %max3A_49, %transpose3A_53, %dot_general3A_54 {dimension_numbers = #tpu.dot_dimension_numbers<[1], [0], [0], [1], [0, 0, 1, 1], [], []>, transpose_lhs_hint = false} : vector<10000x128xf32>, vector<128x128xf32>, vector<10000x128xf32> -> vector<10000x128xf32>
    %get3A_56 = arith.constant 0 : index
    %get3A_57 = arith.constant 0 : index
    %get3A_58 = vector.load %arg7[%get3A_56, %get3A_57] : memref<1x128xf32, #tpu.memory_space<vmem>>, vector<1x128xf32>
    %add3A_59 = vector.broadcast %get3A_58 : vector<1x128xf32> to vector<10000x128xf32>
    %add3A_60 = arith.addf %dot_general3A_55, %add3A_59 : vector<10000x128xf32>
    %max3A_61 = arith.constant 0.000000e+00 : f32
    %max3A_62 = vector.broadcast %max3A_61 : f32 to vector<10000x128xf32>
    %max3A_63 = arith.maximumf %add3A_60, %max3A_62 : vector<10000x128xf32>
    %swap3A = arith.constant 0 : index
    %swap3A_64 = arith.constant 0 : index
    %swap3A_65 = vector.load %arg8[%swap3A, %swap3A_64] : memref<10000x128xf32, #tpu.memory_space<vmem>>, vector<10000x128xf32>
    tpu.vector_store %arg8[%swap3A, %swap3A_64], %max3A_63 {strides = array<i32>} : memref<10000x128xf32, #tpu.memory_space<vmem>>, vector<10000x128xf32>,
    return
  }
}

</mosaic_0001>

<sc_bundles>
// kernel: kernel.4.cloned.1.call-start
scs
__scs_entry_jumppad:
0x0: {  	(pc) =	sbr.rel $0x88, $3  }
0x1: {  	(tag) =	ssettag $0x0;
	lr =	simm.s32 $0x1  }
0x2: {  	[smem:$0x3F99] =	sst lr;
	_ =	strace $0xD0000000  }
0x3: {  	_ = 	snop  }
0x4: {  	_ = 	snop  }
0x5: {  	_ = 	snop  }
0x6: {  	_ = 	snop  }
0x7: {  	_ = 	snop  }
__scs_overlays_trampoline_lowered:
0x8: {  	[smem:$0x3FA8] =	sst s0  }
0x9: {  	[smem:$0x3FA9] =	sst s1  }
0xa: {  	[smem:$0x3FAA] =	sst s2  }
0xb: {  	[smem:$0x3FAB] =	sst s3  }
0xc: {  	[smem:$0x3FAC] =	sst s4  }
0xd: {  	[smem:$0x3FAD] =	sst s5  }
0xe: {  	[smem:$0x3FAE] =	sst s6  }
0xf: {  	[smem:$0x3FAF] =	sst s7  }
0x10: {  	[smem:$0x3FB0] =	sst s8  }
0x11: {  	[smem:$0x3FB1] =	sst s9;
	s0 =	simm.s32 @!p0 $0x0  }
0x12: {  	s1 =	sld [smem:$0x3F97];
	s0 =	simm.s32 @p0 $0x1  }
0x13: {  	[smem:$0x3FB2] =	sst s0;
	s0 =	simm.s32 @!p1 $0x0  }
0x14: {  	s2 =	sld [smem:$0x3F96];
	s0 =	simm.s32 @p1 $0x1  }
0x15: {  	[smem:$0x3FB3] =	sst s0;
	s0 =	simm.s32 @!p2 $0x0  }
0x16: {  	s3 =	sld [smem:$0x3FDB];
	s0 =	simm.s32 @p2 $0x1  }
0x17: {  	s4 =	simm.s32 $0x1BF5;
	[smem:$0x3FB5] =	sst s0  }
0x18: {  	s0 =	sld [smem:$0x3F98];
	_ =	swait.ge [sflag:s4], $0x0  }
0x19: {  	s7 =	sld [smem:$0x3F99]  }
0x1a: {  	s8 =	sadd.s32 $0xFFFFE003, lr  }
0x1b: {  	s9 =	sadd.s32 $0xFFFFFEF7, lr;
	s5 =	simm.s32 $0xFFFFFFFF;
	p2 =	slt.u32 s8, $0xFFFFF086  }
0x1c: {  	p1 =	slt.u32 s9, $0xF7A;
	s5 =	simm.s32 @!p2 $0x0  }
0x1d: {  	s5 =	simm.s32 @p1 $0x1;
	p0 =	seq.s32 s7, s2  }
0x1e: {  	s7 =	smul.u32 @!p0 $0xF7A, s2;
	p2 =	seq.s32 @!p0 s5, $0x0  }
0x1f: {  	s9 =	smul.u32 $0xF7A, s1;
	s8 =	simm.s32 @!p0 $0x1BF5;
	p2 =	por !p2, p0  }
0x20: {  	[sflag:s8] =	ssyncset.s32 @!p0 $0xFFFFF086;
	s6 =	sadd.s32 @!p0 s3, s7;
	s7 =	simm.s32 @!p0 $0x108  }
0x21: {  	s3 =	sadd.s32 s3, s9;
	s6 =	sadd.s32 @!p0 $0x88, s6;
	s7 =	simm.s32 @p2 $0x1082  }
0x22: {  	[simem:s7], [sflag:s8] =	dma.local @!p0 [hbm:s6], $0xF7A  }
0x23: {  	s9 =	sor.u32 $0xD0000000, s2;
	s6 =	simm.s32 $0x108;
	_ =	swait.ge @!p0 [sflag:s8], $0x0  }
0x24: {  	s3 =	sadd.s32 $0x88, s3;
	s6 =	simm.s32 @!p1 $0x1082;
	[sflag:s4] =	ssyncset.s32 $0xFFFFF086  }
0x25: {  	[simem:s6], [sflag:s4] =	dma.local [hbm:s3], $0xF7A  }
0x26: {  	[smem:$0x3F99] =	sst s1;
	(tag) =	ssettag s2;
	_ =	strace s9  }
0x27: {  	s1 =	sld [smem:$0x3FA9]  }
0x28: {  	s2 =	sld [smem:$0x3FAA]  }
0x29: {  	s4 =	sld [smem:$0x3FAC]  }
0x2a: {  	p0 =	seq.s32 s5, $0x0;
	s5 =	sld [smem:$0x3FAD]  }
0x2b: {  	s6 =	sld [smem:$0x3FAE]  }
0x2c: {  	s7 =	sld [smem:$0x3FAF]  }
0x2d: {  	s3 =	simm.s32 $0x108;
	s8 =	sld [smem:$0x3FB0]  }
0x2e: {  	s3 =	simm.s32 @!p0 $0x1082;
	s9 =	sld [smem:$0x3FB1]  }
0x2f: {  	lr =	sadd.s32 s0, s3;
	s0 =	sld [smem:$0x3FA8]  }
0x30: {  	s3 =	sld [smem:$0x3FAB]  }
0x31: {  	[smem:$0x3FB4] =	sst s10  }
0x32: {  	s10 =	sld [smem:$0x3FB2];
	_ =	sdelay $0x3  }
0x33: {  	p0 =	seq.s32 s10, $0x1;
	s10 =	sld [smem:$0x3FB4];
	_ =	sdelay $0x3  }
0x34: {  	[smem:$0x3FB4] =	sst s10  }
0x35: {  	s10 =	sld [smem:$0x3FB3];
	_ =	sdelay $0x3  }
0x36: {  	p1 =	seq.s32 s10, $0x1;
	s10 =	sld [smem:$0x3FB4];
	_ =	sdelay $0x3  }
0x37: {  	[smem:$0x3FB4] =	sst s10  }
0x38: {  	s10 =	sld [smem:$0x3FB5]  }
0x39: {  	_ = 	snop;
	(pc) =	sbr.ind lr, $3  }
0x3a: {  	_ = 	snop  }
0x3b: {  	_ = 	snop  }
0x3c: {  	p2 =	seq.s32 s10, $0x1;
	s10 =	sld [smem:$0x3FB4]  }
0x3d: {  	_ =	shalt  }
0x3e: {  	_ =	shalt  }
0x3f: {  	_ =	shalt  }
0x40: {  	_ =	shalt  }
0x41: {  	_ =	shalt  }
0x42: {  	_ =	shalt  }
0x43: {  	_ =	shalt  }
0x44: {  	_ =	shalt  }
0x45: {  	_ =	shalt  }
0x46: {  	_ =	shalt  }
0x47: {  	_ =	shalt  }
0x48: {  	_ =	shalt  }
0x49: {  	_ =	shalt  }
0x4a: {  	_ =	shalt  }
0x4b: {  	_ =	shalt  }
0x4c: {  	_ =	shalt  }
0x4d: {  	_ =	shalt  }
0x4e: {  	_ =	shalt  }
0x4f: {  	_ =	shalt  }
0x50: {  	_ =	shalt  }
0x51: {  	_ =	shalt  }
0x52: {  	_ =	shalt  }
0x53: {  	_ =	shalt  }
0x54: {  	_ =	shalt  }
0x55: {  	_ =	shalt  }
0x56: {  	_ =	shalt  }
0x57: {  	_ =	shalt  }
0x58: {  	_ =	shalt  }
0x59: {  	_ =	shalt  }
0x5a: {  	_ =	shalt  }
0x5b: {  	_ =	shalt  }
0x5c: {  	_ =	shalt  }
0x5d: {  	_ =	shalt  }
0x5e: {  	_ =	shalt  }
0x5f: {  	_ =	shalt  }
0x60: {  	_ =	shalt  }
0x61: {  	_ =	shalt  }
0x62: {  	_ =	shalt  }
0x63: {  	_ =	shalt  }
0x64: {  	_ =	shalt  }
0x65: {  	_ =	shalt  }
0x66: {  	_ =	shalt  }
0x67: {  	_ =	shalt  }
0x68: {  	_ =	shalt  }
0x69: {  	_ =	shalt  }
0x6a: {  	_ =	shalt  }
0x6b: {  	_ =	shalt  }
0x6c: {  	_ =	shalt  }
0x6d: {  	_ =	shalt  }
0x6e: {  	_ =	shalt  }
0x6f: {  	_ =	shalt  }
0x70: {  	_ =	shalt  }
0x71: {  	_ =	shalt  }
0x72: {  	_ =	shalt  }
0x73: {  	_ =	shalt  }
0x74: {  	_ =	shalt  }
0x75: {  	_ =	shalt  }
0x76: {  	_ =	shalt  }
0x77: {  	_ =	shalt  }
0x78: {  	_ =	shalt  }
0x79: {  	_ =	shalt  }
0x7a: {  	_ =	shalt  }
0x7b: {  	_ =	shalt  }
0x7c: {  	_ =	shalt  }
0x7d: {  	_ =	shalt  }
0x7e: {  	_ =	shalt  }
0x7f: {  	_ =	shalt  }
0x80: {  	_ =	shalt  }
0x81: {  	_ =	shalt  }
0x82: {  	_ =	shalt  }
0x83: {  	_ =	shalt  }
0x84: {  	_ =	shalt  }
0x85: {  	_ =	shalt  }
0x86: {  	_ =	shalt  }
0x87: {  	_ =	shalt  }
.Lfunc_end0:
.L_simem_size_0:
called_computation_lowered:
.L_overlay_start_0:
0x88: {  	s2 =	sld [smem:$0x3FD9]  }
0x89: {  	s3 =	sld [smem:$0x3FFE];
	_ =	sdelay $0x1  }
0x8a: {  	s1 =	srdreg.scid  }
0x8b: {  	s0 =	sand.u32 $0x1, s1  }
0x8c: {  	s17 =	sshll.u32 s0, $0xA;
	s2 =	sadd.s32 s3, s2  }
0x8d: {  	s2 =	sadd.s32 s2, s17  }
0x8e: {  	[smem:$0x3FC0] =	sst s2  }
0x8f: {  	_ = 	snop  }
0x90: {  	s2 =	sld [smem:$0x3FC9]  }
0x91: {  	s18 =	sld [smem:$0x3FD0];
	(tm) =	ssettm $0x1  }
0x92: {  	s4 =	sld [smem:$0x3FFB];
	_ =	sdelay $0x3  }
0x93: {  	_ =	strace s4  }
0x94: {  	s4 =	sld [smem:$0x3FFC];
	_ =	sdelay $0x3  }
0x95: {  	_ =	strace s4  }
0x96: {  	s4 =	sld [smem:$0x3FFD];
	_ =	sdelay $0x3  }
0x97: {  	_ =	strace s4  }
0x98: {  	_ =	strace $0x8FFFFFFF  }
0x99: {  	s19 =	sld [smem:$0x3FDB];
	_ =	sdelay $0x1  }
0x9a: {  	s5 =	simm.s32 $_scs_section_size  }
0x9b: {  	s6 =	simm.s32 $_size__tile_overlayer_lowered;
	s7 =	simm.s32 $_tile_overlayer_lowered  }
0x9c: {  	s22 =	simm.s32 $0x1BFF;
	s21 =	sshll.u32 s7, $0x1;
	s4 =	sadd.s32 s5, s19  }
0x9d: {  	s8 =	simm.s32 $0x0;
	s20 =	sshll.u32 s6, $0x1;
	s6 =	sadd.s32 s21, s4  }
0x9e: {  	[timem:s8], [sflag:s22] =	dma.local [hbm:s6], s20  }
0x9f: {  	_ =	swait.ge [sflag:s22], s20  }
0xa0: {  	s5 =	ssub.s32 $0x0, s20;
	[sflag:s22] =	ssyncset.done $0x0  }
0xa1: {  	[sflag:s22] =	ssyncadd.s32 s5;
	_ =	sdelay $0x1  }
0xa2: {  	s23 =	simm.s32 $0x1B8B  }
0xa3: {  	_ =	swait.ge [sflag:s23], $0x1  }
0xa4: {  	[sflag:s23] =	ssyncset.done $0x0  }
0xa5: {  	s25 =	simm.s32 $0x1B8E;
	s24 =	sld [smem:$0x3FFE];
	[sflag:s23] =	ssyncadd.s32 $0xFFFFFFFF  }
0xa6: {  	s26 =	simm.s32 $execute0_lowered;
	[smem:$0x3FD2] =	sst s25  }
0xa7: {  	s6 =	sshll.u32 s26, $0x1;
	_ =	strace $0x80000046;
	[dreg:$0x1] =	wrdreg $0xFFFFFFFF  }
0xa8: {  	s28 =	simm.s32 $_size_execute0_lowered;
	s4 =	sadd.s32 s4, s6;
	[dreg:$0x0] =	wrdreg $0x0  }
0xa9: {  	s6 =	sshll.u32 s28, $0x1;
	[dreg:$0x2] =	wrdreg s4  }
0xaa: {  	[dreg:$0x3] =	wrdreg s6  }
0xab: {  	[dreg:$0x4] =	wrdreg $0xC0  }
0xac: {  	_ =	task [dreg:s8], $0x5FFFF  }
0xad: {  	[dreg:$0x1] =	wrdreg $0xFFFFFFFF  }
0xae: {  	[dreg:$0x0] =	wrdreg $0x60  }
0xaf: {  	[dreg:$0x2] =	wrdreg s2  }
0xb0: {  	[dreg:$0x3] =	wrdreg s18  }
0xb1: {  	[dreg:$0x4] =	wrdreg s24  }
0xb2: {  	[dreg:$0x5] =	wrdreg $0x0  }
0xb3: {  	[dreg:$0x6] =	wrdreg $0x9  }
0xb4: {  	_ =	task.clear_ibuf [dreg:s8], $0x7FFFF;
	_ =	strace $0x90000046  }
0xb5: {  	s29 =	simm.s32 $0x9;
	_ =	strace $0x80000048  }
0xb6: {  	_ =	swait.ge [sflag:s29], $0x1  }
0xb7: {  	[sflag:s29] =	ssyncadd.s32 $0xFFFFFFFF  }
0xb8: {  	_ =	strace $0x90000048  }
0xb9: {  	_ =	sfence  }
0xba: {  	s30 =	sld [smem:$0x0];
	_ =	sdelay $0x2  }
0xbb: {  	s31 =	sshll.u32 s1, $0xD;
	s1 =	sshrl.u32 s1, $0x2  }
0xbc: {  	s3 =	sand.u32 $0x4000, s31;
	s1 =	sadd.s32 s1, s30  }
0xbd: {  	s0 =	sor.u32 s3, s0;
	s1 =	sshll.u32 s1, $0x11  }
0xbe: {  	s0 =	sor.u32 s1, s0  }
0xbf: {  	s0 =	sadd.s32 $0x8F2B, s0  }
0xc0: {  	[sflag:s0] =	ssyncadd.remote.s32 $0x1  }
0xc1: {  	_ =	sfence.sel $0xFFFF  }
0xc2: {  	[dreg:$0x0] =	wrdreg $0xFFFFFFFF;
	(pc) =	sbr.abs _section_cstart, $3  }
0xc3: {  	[dreg:$0x1] =	wrdreg $0xFFFFFFFF  }
0xc4: {  	_ =	task.clear_ibuf [dreg:s8], $0x2FFFF;
	_ =	strace $0x9FFFFFFF  }
0xc5: {  	(tm) =	ssettm $0x7FFFFFFF  }
tec
execute0_lowered:
.L_overlay_start_1:
0x0: {  	(tag) =	ssettag $0x1  }
0x1: {  	s0 =	rddreg [dreg:$0x0]  }
0x2: {  	s1 =	rddreg [dreg:$0x1]  }
0x3: {  	s7 =	rddreg [dreg:$0x2]  }
0x4: {  	s2 =	srdreg.scid;
	s4 =	rddreg [dreg:$0x3]  }
0x5: {  	s3 =	stileid.u32;
	s5 =	simm.s32 $0x0;
	s16 =	simm.s32 $0x3  }
0x6: {  	s17 =	simm.s32 $0x13C00;
	s18 =	simm.s32 $0x14C00;
	s19 =	simm.s32 $0x80  }
0x7: {  	s20 =	simm.s32 $0x13C80;
	s21 =	simm.s32 $0x19C00;
	s8 =	smul.u32 $0x13C00, s3  }
0x8: {  	s22 =	simm.s32 $0x1;
	s23 =	simm.s32 $0x2;
	s9 =	smul.u32 $0x4F000, s3  }
0x9: {  	s25 =	simm.s32 $0x15B80;
	s24 =	sand.u32 $0x1, s2;
	s12 =	smul.u32 $0x5000, s3  }
0xa: {  	s26 =	simm.s32 $0x0;
	[smem:$0x7FF] =	sst s5;
	s6 =	smul.u32 $0x13C000, s24  }
0xb: {  	_ =	strace $0x80000047;
	s10 =	ssub.s32 $0x2, s24;
	s15 =	sshll.u32 s24, $0xE  }
0xc: {  	p0 =	sne.s32 s24, $0x0;
	s24 =	simm.s32 $0x15B00;
	s30 =	sshrl.u32 s10, $0x1  }
0xd: {  	s31 =	sshrl.u32 s9, $0x2;
	s12 =	sadd.s32 s15, s12;
	s8 =	sadd.s32 s8, s6  }
0xe: {  	s15 =	simm.s32 $0x15C00;
	s6 =	sadd.s32 $0x1200, s7;
	s8 =	sshrl.u32 s8, $0x3  }
0xf: {  	s14 =	ssub.s32 s10, s30;
	s13 =	sadd.s32 s8, s7;
	s7 =	sadd.s32 s31, s4  }
0x10: {  	s14 =	smax.u32 s14, $0x1;
	s8 =	sadd.s32 $0x4000, s7;
	s9 =	sadd.s32 $0x8000, s7  }
0x11: {  	v0 =	vimm.f32 $0.0e+00;
	s10 =	sadd.s32 $0xC000, s7;
	s11 =	sadd.s32 $0x10000, s7;
	s13 =	sadd.s32 $0xB200, s13  }
.LBB2_1:
0x12: {  	s28 =	sand.u32 $0xFE00, s5  }
0x13: {  	s29 =	sand.u32 $0x70, s5;
	s30 =	sshrl.u32 s28, $0x2  }
0x14: {  	s28 =	simm.s32 $0x40;
	s30 =	sor.u32 s29, s30;
	s29 =	simm.s32 $0x0  }
.LBB2_2:
0x15: {  	p1 =	sne.s32 s28, $0xFFC0  }
0x16: {  	[tilespmem:s30+$0x15C00] =	vst v0;
	s29 =	sadd.s32 $0x10, s29;
	s30 =	smov.u32 s28;
	s28 =	sadd.s32 $0x40, s28  }
.Ltmp0:
0x17: {  	(pc) =	sbr.rel @p1 .LBB2_2-.Ltmp0, $4  }
0x18: {  	_ = 	snop  }
0x19: {  	s30 =	sand.u32 $0xFE00, s30  }
0x1a: {  	s31 =	sand.u32 $0x70, s29;
	s30 =	sshrl.u32 s30, $0x2  }
0x1b: {  	s30 =	sor.u32 s31, s30  }
0x1c: {  	[tilespmem:s30+$0x15C00] =	vst v0  }
0x1d: {  	[spmem:s7] =	stream.linear.scatter [tilespmem:s15], [sflag:$0x3], $0x4000, $0x38;
	[tilespmem:$0x1DC00] =	vst v63  }
0x1e: {  	_ =	swait.ge [sflag:s16], $0x4000  }
0x1f: {  	[sflag:s16] =	ssyncset.done $0x0  }
0x20: {  	[sflag:s16] =	ssyncadd.s32 $0xFFFFC000  }
0x21: {  	[spmem:s8] =	stream.linear.scatter [tilespmem:s15], [sflag:$0x3], $0x4000, $0x38;
	[tilespmem:$0x1DC00] =	vst v63  }
0x22: {  	_ =	swait.ge [sflag:s16], $0x4000  }
0x23: {  	[sflag:s16] =	ssyncset.done $0x0  }
0x24: {  	[sflag:s16] =	ssyncadd.s32 $0xFFFFC000  }
0x25: {  	[spmem:s9] =	stream.linear.scatter [tilespmem:s15], [sflag:$0x3], $0x4000, $0x38;
	[tilespmem:$0x1DC00] =	vst v63  }
0x26: {  	_ =	swait.ge [sflag:s16], $0x4000  }
0x27: {  	[sflag:s16] =	ssyncset.done $0x0  }
0x28: {  	[sflag:s16] =	ssyncadd.s32 $0xFFFFC000  }
0x29: {  	[spmem:s10] =	stream.linear.scatter [tilespmem:s15], [sflag:$0x3], $0x4000, $0x38;
	[tilespmem:$0x1DC00] =	vst v63  }
0x2a: {  	_ =	swait.ge [sflag:s16], $0x4000  }
0x2b: {  	[sflag:s16] =	ssyncset.done $0x0  }
0x2c: {  	[sflag:s16] =	ssyncadd.s32 $0xFFFFC000  }
0x2d: {  	[spmem:s11] =	stream.linear.scatter [tilespmem:s15], [sflag:$0x3], $0x3C00, $0x38;
	[tilespmem:$0x1DC00] =	vst v63  }
0x2e: {  	_ =	swait.ge [sflag:s16], $0x3C00  }
0x2f: {  	[sflag:s16] =	ssyncset.done $0x0  }
0x30: {  	[sflag:s16] =	ssyncadd.s32 $0xFFFFC400  }
0x31: {  	s28 =	simm.s32 $0x0;
	s29 =	simm.s32 $0x0;
	[bflag:$0x0] =	sbarrier.arrive $0xFFFF  }
.LBB2_4:
0x32: {  	s30 =	sshll.u32 s29, $0xC  }
0x33: {  	s30 =	sadd.s32 s30, s12  }
0x34: {  	s30 =	sshrl.u32 s30, $0x3  }
0x35: {  	s31 =	sadd.s32 s1, s30  }
0x36: {  	[tilespmem:s17], [sflag:$0x3] =	stream.linear.gather [hbm4b:s31+s28], $0x1000, $0x38;
	[tilespmem:$0x1DC00] =	vst v63  }
0x37: {  	_ =	swait.ge [sflag:s16], $0x1000  }
0x38: {  	[sflag:s16] =	ssyncset.done $0x0  }
0x39: {  	s30 =	sadd.s32 s6, s30;
	[sflag:s16] =	ssyncadd.s32 $0xFFFFF000  }
0x3a: {  	[tilespmem:s18], [sflag:$0x3] =	stream.linear.gather [hbm4b:s30+s28], $0x1000, $0x38;
	[tilespmem:$0x1DC00] =	vst v63  }
0x3b: {  	_ =	swait.ge [sflag:s16], $0x1000  }
0x3c: {  	[sflag:s16] =	ssyncset.done $0x0  }
0x3d: {  	[sflag:s16] =	ssyncadd.s32 $0xFFFFF000  }
0x3e: {  	[tilespmem:s15], [sflag:$0x1] =	stream.indirect.gather [hbm4b:s0+s19], $0x80, s17, s19, $0xb8;
	[tilespmem:$0x1DC00] =	vst v63  }
0x3f: {  	_ = 	snop  }
0x40: {  	[tilespmem:s21], [sflag:$0x2] =	stream.indirect.gather [hbm4b:s0+s19], $0x80, s20, s19, $0xb8;
	[tilespmem:$0x1DC00] =	vst v63  }
0x41: {  	_ =	swait.ge [sflag:s22], $0x4000  }
0x42: {  	[sflag:s22] =	ssyncset.done $0x0  }
0x43: {  	s30 =	simm.s32 $0x14C00;
	[sflag:s22] =	ssyncadd.s32 $0xFFFFC000  }
0x44: {  	[spmem:s4] =	stream.indirect.scatter.add.f32 [tilespmem:s15], [sflag:$0x3], $0x80, s30, s19, $0xb8;
	[tilespmem:$0x1DC00] =	vst v63  }
0x45: {  	_ =	swait.ge [sflag:s16], $0x4000  }
0x46: {  	[sflag:s16] =	ssyncset.done $0x0  }
0x47: {  	s30 =	simm.s32 $0x13D00;
	[sflag:s16] =	ssyncadd.s32 $0xFFFFC000  }
0x48: {  	[tilespmem:s15], [sflag:$0x1] =	stream.indirect.gather [hbm4b:s0+s19], $0x80, s30, s19, $0xb8;
	[tilespmem:$0x1DC00] =	vst v63  }
0x49: {  	_ =	swait.ge [sflag:s23], $0x4000  }
0x4a: {  	[sflag:s23] =	ssyncset.done $0x0  }
0x4b: {  	s30 =	simm.s32 $0x14C80;
	[sflag:s23] =	ssyncadd.s32 $0xFFFFC000  }
0x4c: {  	[spmem:s4] =	stream.indirect.scatter.add.f32 [tilespmem:s21], [sflag:$0x3], $0x80, s30, s19, $0xb8;
	[tilespmem:$0x1DC00] =	vst v63  }
0x4d: {  	_ =	swait.ge [sflag:s16], $0x4000  }
0x4e: {  	[sflag:s16] =	ssyncset.done $0x0  }
0x4f: {  	s31 =	simm.s32 $0x13D80;
	s30 =	simm.s32 $0x400;
	[sflag:s16] =	ssyncadd.s32 $0xFFFFC000  }
.LBB2_5:
0x50: {  	[tilespmem:s21], [sflag:$0x2] =	stream.indirect.gather [hbm4b:s0+s19], $0x80, s31, s19, $0xb8;
	[tilespmem:$0x1DC00] =	vst v63  }
0x51: {  	s31 =	smov.u32 s30  }
0x52: {  	p1 =	sne.s32 s30, $0x3800;
	s30 =	sadd.s32 $0x400, s30;
	_ =	swait.ge [sflag:s22], $0x4000  }
0x53: {  	s31 =	sshra.s32 s31, $0x2;
	[sflag:s22] =	ssyncset.done $0x0  }
0x54: {  	s2 =	sadd.s32 $0x14C00, s31;
	[sflag:s22] =	ssyncadd.s32 $0xFFFFC000  }
0x55: {  	[spmem:s4] =	stream.indirect.scatter.add.f32 [tilespmem:s15], [sflag:$0x3], $0x80, s2, s19, $0xb8;
	[tilespmem:$0x1DC00] =	vst v63  }
0x56: {  	_ =	swait.ge [sflag:s16], $0x4000  }
0x57: {  	[sflag:s16] =	ssyncset.done $0x0  }
0x58: {  	s2 =	sadd.s32 $0x13D00, s31;
	[sflag:s16] =	ssyncadd.s32 $0xFFFFC000  }
0x59: {  	[tilespmem:s15], [sflag:$0x1] =	stream.indirect.gather [hbm4b:s0+s19], $0x80, s2, s19, $0xb8;
	[tilespmem:$0x1DC00] =	vst v63  }
0x5a: {  	_ =	swait.ge [sflag:s23], $0x4000  }
0x5b: {  	[sflag:s23] =	ssyncset.done $0x0  }
.Ltmp1:
0x5c: {  	s2 =	sadd.s32 $0x14C80, s31;
	[sflag:s23] =	ssyncadd.s32 $0xFFFFC000;
	(pc) =	sbr.rel @p1 .LBB2_5-.Ltmp1, $4  }
0x5d: {  	[spmem:s4] =	stream.indirect.scatter.add.f32 [tilespmem:s21], [sflag:$0x3], $0x80, s2, s19, $0xb8;
	[tilespmem:$0x1DC00] =	vst v63  }
0x5e: {  	_ =	swait.ge [sflag:s16], $0x4000  }
0x5f: {  	[sflag:s16] =	ssyncset.done $0x0  }
0x60: {  	s31 =	sadd.s32 $0x13D80, s31;
	[sflag:s16] =	ssyncadd.s32 $0xFFFFC000  }
0x61: {  	[tilespmem:s21], [sflag:$0x2] =	stream.indirect.gather [hbm4b:s0+s19], $0x80, s31, s19, $0xb8;
	[tilespmem:$0x1DC00] =	vst v63  }
0x62: {  	_ =	swait.ge [sflag:s22], $0x4000  }
0x63: {  	[sflag:s22] =	ssyncset.done $0x0  }
0x64: {  	[sflag:s22] =	ssyncadd.s32 $0xFFFFC000  }
0x65: {  	[spmem:s4] =	stream.indirect.scatter.add.f32 [tilespmem:s15], [sflag:$0x3], $0x80, s24, s19, $0xb8;
	[tilespmem:$0x1DC00] =	vst v63  }
0x66: {  	_ =	swait.ge [sflag:s16], $0x4000  }
0x67: {  	[sflag:s16] =	ssyncset.done $0x0  }
0x68: {  	[sflag:s16] =	ssyncadd.s32 $0xFFFFC000  }
0x69: {  	p1 =	slt.u32 @!p0 s29, $0x3;
	_ =	swait.ge [sflag:s23], $0x4000  }
0x6a: {  	p1 =	por p0, !p1;
	[sflag:s23] =	ssyncset.done $0x0  }
.Ltmp2:
0x6b: {  	[sflag:s23] =	ssyncadd.s32 $0xFFFFC000;
	(pc) =	sbr.rel @!p1 .LBB2_4-.Ltmp2, $4  }
0x6c: {  	[spmem:s4] =	stream.indirect.scatter.add.f32 [tilespmem:s21], [sflag:$0x3], $0x80, s25, s19, $0xb8;
	[tilespmem:$0x1DC00] =	vst v63  }
0x6d: {  	_ =	swait.ge [sflag:s16], $0x4000  }
0x6e: {  	[sflag:s16] =	ssyncset.done $0x0  }
0x6f: {  	s29 =	sadd.s32 $0x1, s29;
	[sflag:s16] =	ssyncadd.s32 $0xFFFFC000  }
0x70: {  	s26 =	sadd.s32 $0x1, s26  }
0x71: {  	s2 =	sshll.u32 s3, $0x6;
	[bflag:$0x0] =	sbarrier.arrive $0xFFFF;
	p1 =	sne.s32 s26, s14  }
.Ltmp3:
0x72: {  	s28 =	sshrl.u32 s7, $0x3;
	s2 =	sor.u32 $0x1C03, s2;
	(pc) =	sbr.rel @p1 .LBB2_1-.Ltmp3, $4  }
0x73: {  	[hbm:s13], [sflag:s2] =	dma.local [spmem:s28], $0x2780  }
0x74: {  	_ =	swait.ge [sflag:s16], $0x2780  }
0x75: {  	[sflag:s16] =	ssyncset.done $0x0  }
0x76: {  	[sflag:s16] =	ssyncadd.s32 $0xFFFFD880  }
0x77: {  	_ =	sfence.sel $0x180000  }
0x78: {  	[bflag:$0x0] =	sbarrier.arrive $0xFFFF  }
0x79: {  	_ =	strace $0x90000047  }
0x7a: {  	[bflag:$0x2] =	sbarrier.arrive $0xFFFF  }
0x7b: {  	p0 =	sne.s32 s3, $0x0;
	s0 =	rddreg [dreg:$0x4]  }
0x7c: {  	s0 =	sadd.s32 @!p0 $0x100000, s0  }
0x7d: {  	[sflag:s0] =	ssyncadd.tile.s32 @!p0 $0x1;
	_ =	shalt  }
.Lfunc_end2:
_tile_overlayer_lowered:
.L_overlay_start_2:
0x7e: {  	(tag) =	ssettag $0x2  }
0x7f: {  	s0 =	rddreg [dreg:$0x0];
	s2 =	stileid.u32  }
0x80: {  	s1 =	rddreg [dreg:$0x1];
	p0 =	sne.s32 s2, $0x0  }
0x81: {  	s3 =	rddreg [dreg:$0x2];
	[bflag:$0x3] =	sbarrier.arrive $0xFFFF;
	s2 =	simm.s32 @!p0 $0x1C03  }
0x82: {  	[timem:s3], [sflag:s2] =	dma.local @!p0 [hbm:s0], s1  }
0x83: {  	s0 =	simm.s32 @!p0 $0x3  }
0x84: {  	_ =	swait.ge @!p0 [sflag:s0], s1  }
0x85: {  	s1 =	ssub.s32 @!p0 $0x0, s1;
	[sflag:s0] =	ssyncset.done @!p0 $0x0  }
0x86: {  	[sflag:s0] =	ssyncadd.s32 @!p0 s1  }
0x87: {  	[bflag:$0x3] =	sbarrier.arrive $0xFFFF  }
0x88: {  	_ =	shalt  }

</sc_bundles>
